<compile_context>
chip_gen: v7x
topology: tpu7x:2x2x1
jax: 0.10.2.dev20260603
libtpu: 0.0.44.dev20260713+nightly
codegen_flags: <defaults>
</compile_context>

<pallas_src>
import functools

import jax
import jax.numpy as jnp
from jax import lax
from jax.experimental import pallas as pl
from jax.experimental.pallas import tpu as pltpu
from jax.experimental.pallas import tpu_sc as plsc

B, N, D = 16, 2048, 3
NC, NS = 1, 16
NW = NC * NS
TOK = B * N
TOK_W = TOK // NW
ELEM_W = TOK_W * D
HALVES = N // TOK_W
TOK_H = TOK_W // 2
ELEM_H = TOK_H * D
GROUPS_H = TOK_H // 16

_mesh = plsc.VectorSubcoreMesh(core_axis_name="c", subcore_axis_name="s", num_cores=1)


@functools.partial(
    pl.kernel,
    out_type=(
        jax.ShapeDtypeStruct((D, B, N), jnp.float32),
        jax.ShapeDtypeStruct((B, N), jnp.int32),
    ),
    mesh=_mesh,
    scratch_types=[
        pltpu.VMEM((ELEM_W,), jnp.float32),
        pltpu.VMEM((D, TOK_W), jnp.float32),
        pltpu.VMEM((TOK_W,), jnp.int32),
        pltpu.SemaphoreType.DMA,
        pltpu.SemaphoreType.DMA,
        pltpu.SemaphoreType.DMA,
    ],
    compiler_params=pltpu.CompilerParams(needs_layout_passes=False),
)
def _sc(x_hbm, out_hbm, mask_hbm, xv, pv, mv, si0, si1, so):
    wid = lax.axis_index("s") * NC + lax.axis_index("c")
    b = wid // HALVES
    nbase = (wid % HALVES) * TOK_W

    in0 = pltpu.async_copy(
        x_hbm.at[b, pl.ds(nbase * D, ELEM_H)], xv.at[pl.ds(0, ELEM_H)], si0
    )
    in1 = pltpu.async_copy(
        x_hbm.at[b, pl.ds(nbase * D + ELEM_H, ELEM_H)],
        xv.at[pl.ds(ELEM_H, ELEM_H)],
        si1,
    )

    lane = lax.iota(jnp.int32, 16)
    tok3 = 3 * lane
    zf = jnp.zeros((16,), jnp.float32)
    zi = jnp.zeros((16,), jnp.int32)
    oi = jnp.ones((16,), jnp.int32)

    def half(off):
        @plsc.parallel_loop(0, GROUPS_H, unroll=4)
        def body(g):
            base = off * D + 48 * g
            t = off + 16 * g
            c = plsc.load_gather(xv, [base + tok3 + 2])
            keep = c > zf
            v0 = plsc.load_gather(xv, [base + tok3])
            v1 = plsc.load_gather(xv, [base + tok3 + 1])
            pv[0, pl.ds(t, 16)] = jnp.where(keep, v0, zf)
            pv[1, pl.ds(t, 16)] = jnp.where(keep, v1, zf)
            pv[2, pl.ds(t, 16)] = jnp.where(keep, c, zf)
            mv[pl.ds(t, 16)] = jnp.where(keep, oi, zi)

    in0.wait()
    half(0)
    out0 = pltpu.async_copy(
        pv.at[:, pl.ds(0, TOK_H)], out_hbm.at[:, b, pl.ds(nbase, TOK_H)], so
    )
    in1.wait()
    half(TOK_H)
    out1 = pltpu.async_copy(
        pv.at[:, pl.ds(TOK_H, TOK_H)],
        out_hbm.at[:, b, pl.ds(nbase + TOK_H, TOK_H)],
        so,
    )
    pltpu.sync_copy(mv, mask_hbm.at[b, pl.ds(nbase, TOK_W)])
    out0.wait()
    out1.wait()


def kernel(x):
    planes, mask_i32 = _sc(x)
    out = planes.transpose(1, 2, 0)
    mask = mask_i32.astype(jnp.bool_)
    return (out, mask)

# --- scband reference (transcript-rebuilt; emitter-appended) ---
"""Pipeline reference for scband-input-embedding-3238405341876 (READ-ONLY COPY).

The authoritative reference and input builder live on the scoring server;
editing this copy changes nothing except your own understanding.
"""

import jax, jax.numpy as jnp
import numpy as np

B = 16
N = 2048  # tokens (keypoints) per sample
D = 3

def setup_inputs(seed: int = 0) -> dict:
    key = jax.random.key(seed)
    x = jax.random.uniform(key, (B, N * D), dtype=jnp.float32)
    return {"x": x}

def reference(x) -> tuple:
    # scene_disp=False, confidence=True, kind='add' path
    # rearrange 'b (n d) -> b n d' with d=3
    out = x.reshape(x.shape[0], -1, D)
    # generate_mask_keypoints: mask = kps[:, :, -1] > 0
    mask = out[:, :, -1] > 0
    condition = jnp.logical_not(mask)
    # PositionalEncoding with kind='add' is a no-op on the tensor (no branch taken,
    # dropout unused since it is never applied in forward)
    # out[condition] = 0
    out = jnp.where(condition[:, :, None], 0.0, out)
    return (out, mask)

if __name__ == "__main__":
    import jax
    _d = setup_inputs()
    print(jax.jit(kernel)(*tuple(_d.values())))

</pallas_src>

<mosaic_0001>
#map = affine_map<(d0, d1) -> (0, 0)>
#map1 = affine_map<(d0, d1) -> (0, 0, 0)>
module attributes {stable_mosaic.version = 14 : i64} {
  func.func @_sc(%arg0: i32, %arg1: i32, %arg2: memref<16x6144xf32, #tpu.memory_space<hbm>>, %arg3: memref<3x16x2048xf32, #tpu.memory_space<hbm>>, %arg4: memref<16x2048xi32, #tpu.memory_space<hbm>>, %arg5: memref<6144xf32, #tpu.memory_space<vmem>>, %arg6: memref<3x2048xf32, #tpu.memory_space<vmem>>, %arg7: memref<2048xi32, #tpu.memory_space<vmem>>, %arg8: memref<!tpu.dma_semaphore, #tpu.memory_space<semaphore_mem>>, %arg9: memref<!tpu.dma_semaphore, #tpu.memory_space<semaphore_mem>>, %arg10: memref<!tpu.dma_semaphore, #tpu.memory_space<semaphore_mem>>) attributes {dimension_semantics = [#tpu.dimension_semantics<core_parallel>, #tpu.dimension_semantics<subcore_parallel>], iteration_bounds = array<i64: 1, 16>, scalar_prefetch = 0 : i64, scratch_operands = 6 : i64, tpu.core_type = #tpu.core_type<sc_vector_subcore>, window_params = [{transform_indices = #map}, {transform_indices = #map1}, {transform_indices = #map}]} {
    %mul3A = arith.constant 1 : i32
    %mul3A_0 = arith.muli %arg1, %mul3A : i32
    %add3A = arith.addi %mul3A_0, %arg0 : i32
    %jit3A = arith.constant 1 : i32
    %div3A = arith.divsi %add3A, %jit3A : i32
    %sign3A = arith.constant 0 : i32
    %sign3A_1 = arith.cmpi sgt, %add3A, %sign3A : i32
    %sign3A_2 = arith.extui %sign3A_1 : i1 to i32
    %sign3A_3 = arith.constant 0 : i32
    %sign3A_4 = arith.cmpi slt, %add3A, %sign3A_3 : i32
    %sign3A_5 = arith.extui %sign3A_4 : i1 to i32
    %sign3A_6 = arith.subi %sign3A_2, %sign3A_5 : i32
    %sign3A_7 = arith.constant 0 : i32
    %sign3A_8 = arith.cmpi sgt, %jit3A, %sign3A_7 : i32
    %sign3A_9 = arith.extui %sign3A_8 : i1 to i32
    %sign3A_10 = arith.constant 0 : i32
    %sign3A_11 = arith.cmpi slt, %jit3A, %sign3A_10 : i32
    %sign3A_12 = arith.extui %sign3A_11 : i1 to i32
    %sign3A_13 = arith.subi %sign3A_9, %sign3A_12 : i32
    %ne3A = arith.cmpi ne, %sign3A_6, %sign3A_13 : i32
    %rem3A = arith.remsi %add3A, %jit3A : i32
    %ne3A_14 = arith.constant 0 : i32
    %ne3A_15 = arith.cmpi ne, %rem3A, %ne3A_14 : i32
    %and3A = arith.andi %ne3A, %ne3A_15 : i1
    %sub3A = arith.constant 1 : i32
    %sub3A_16 = arith.subi %div3A, %sub3A : i32
    %select_n3A = arith.select %and3A, %sub3A_16, %div3A : i32
    %jit3A_17 = arith.constant 1 : i32
    %eq3A = arith.constant 0 : i32
    %eq3A_18 = arith.cmpi eq, %jit3A_17, %eq3A : i32
    %jit3A_19 = arith.constant 1 : i32
    %select_n3A_20 = arith.select %eq3A_18, %jit3A_19, %jit3A_17 : i32
    %rem3A_21 = arith.remsi %add3A, %select_n3A_20 : i32
    %ne3A_22 = arith.constant 0 : i32
    %ne3A_23 = arith.cmpi ne, %rem3A_21, %ne3A_22 : i32
    %lt3A = arith.constant 0 : i32
    %lt3A_24 = arith.cmpi slt, %rem3A_21, %lt3A : i32
    %lt3A_25 = arith.constant 0 : i32
    %lt3A_26 = arith.cmpi slt, %select_n3A_20, %lt3A_25 : i32
    %ne3A_27 = arith.xori %lt3A_24, %lt3A_26 : i1
    %and3A_28 = arith.andi %ne3A_27, %ne3A_23 : i1
    %add3A_29 = arith.addi %rem3A_21, %select_n3A_20 : i32
    %select_n3A_30 = arith.select %and3A_28, %add3A_29, %rem3A_21 : i32
    %mul3A_31 = arith.constant 2048 : i32
    %mul3A_32 = arith.muli %select_n3A_30, %mul3A_31 : i32
    %mul3A_33 = arith.constant 3 : i32
    %mul3A_34 = arith.muli %mul3A_32, %mul3A_33 : i32
    %dma_start3A = arith.constant 0 : i32
    %dma_start3A_35 = tpu.memref_slice %arg5[%dma_start3A] : memref<6144xf32, #tpu.memory_space<vmem>> -> memref<3072xf32, #tpu.memory_space<vmem>>
    %dma_start3A_36 = tpu.memref_slice %arg2[%select_n3A, %mul3A_34] : memref<16x6144xf32, #tpu.memory_space<hbm>> -> memref<1x3072xf32, #tpu.memory_space<hbm>>
    %dma_start3A_37 = tpu.memref_squeeze %dma_start3A_36 : memref<1x3072xf32, #tpu.memory_space<hbm>> -> memref<3072xf32, #tpu.memory_space<hbm>>
    %dma_start3A_38 = arith.constant 0 : i32
    %dma_start3A_39 = tpu.memref_slice %arg5[%dma_start3A_38] : memref<6144xf32, #tpu.memory_space<vmem>> -> memref<3072xf32, #tpu.memory_space<vmem>>
    %dma_start3A_40 = tpu.memref_slice %arg2[%select_n3A, %mul3A_34] : memref<16x6144xf32, #tpu.memory_space<hbm>> -> memref<1x3072xf32, #tpu.memory_space<hbm>>
    %dma_start3A_41 = tpu.memref_squeeze %dma_start3A_40 : memref<1x3072xf32, #tpu.memory_space<hbm>> -> memref<3072xf32, #tpu.memory_space<hbm>>
    tpu.enqueue_dma source(%dma_start3A_41 : memref<3072xf32, #tpu.memory_space<hbm>>) target(%dma_start3A_39 : memref<3072xf32, #tpu.memory_space<vmem>>) target_semaphore(%arg8 : memref<!tpu.dma_semaphore, #tpu.memory_space<semaphore_mem>>)
    %mul3A_42 = arith.constant 3 : i32
    %mul3A_43 = arith.muli %mul3A_32, %mul3A_42 : i32
    %add3A_44 = arith.constant 3072 : i32
    %add3A_45 = arith.addi %mul3A_43, %add3A_44 : i32
    %dma_start3A_46 = arith.constant 3072 : i32
    %dma_start3A_47 = tpu.memref_slice %arg5[%dma_start3A_46] : memref<6144xf32, #tpu.memory_space<vmem>> -> memref<3072xf32, #tpu.memory_space<vmem>>
    %dma_start3A_48 = tpu.memref_slice %arg2[%select_n3A, %add3A_45] : memref<16x6144xf32, #tpu.memory_space<hbm>> -> memref<1x3072xf32, #tpu.memory_space<hbm>>
    %dma_start3A_49 = tpu.memref_squeeze %dma_start3A_48 : memref<1x3072xf32, #tpu.memory_space<hbm>> -> memref<3072xf32, #tpu.memory_space<hbm>>
    %dma_start3A_50 = arith.constant 3072 : i32
    %dma_start3A_51 = tpu.memref_slice %arg5[%dma_start3A_50] : memref<6144xf32, #tpu.memory_space<vmem>> -> memref<3072xf32, #tpu.memory_space<vmem>>
    %dma_start3A_52 = tpu.memref_slice %arg2[%select_n3A, %add3A_45] : memref<16x6144xf32, #tpu.memory_space<hbm>> -> memref<1x3072xf32, #tpu.memory_space<hbm>>
    %dma_start3A_53 = tpu.memref_squeeze %dma_start3A_52 : memref<1x3072xf32, #tpu.memory_space<hbm>> -> memref<3072xf32, #tpu.memory_space<hbm>>
    tpu.enqueue_dma source(%dma_start3A_53 : memref<3072xf32, #tpu.memory_space<hbm>>) target(%dma_start3A_51 : memref<3072xf32, #tpu.memory_space<vmem>>) target_semaphore(%arg9 : memref<!tpu.dma_semaphore, #tpu.memory_space<semaphore_mem>>)
    %iota3A = tpu.iota {dimensions = array<i32: 0>} : vector<16xi32>
    %mul3A_54 = arith.constant 3 : i32
    %mul3A_55 = vector.broadcast %mul3A_54 : i32 to vector<16xi32>
    %mul3A_56 = arith.muli %mul3A_55, %iota3A : vector<16xi32>
    %broadcast_in_dim3A = arith.constant 0.000000e+00 : f32
    %broadcast_in_dim3A_57 = vector.broadcast %broadcast_in_dim3A : f32 to vector<16xf32>
    %broadcast_in_dim3A_58 = arith.constant 0 : i32
    %broadcast_in_dim3A_59 = vector.broadcast %broadcast_in_dim3A_58 : i32 to vector<16xi32>
    %broadcast_in_dim3A_60 = arith.constant 1 : i32
    %broadcast_in_dim3A_61 = vector.broadcast %broadcast_in_dim3A_60 : i32 to vector<16xi32>
    %dma_wait3A = arith.constant 0 : i32
    %dma_wait3A_62 = tpu.memref_slice %arg5[%dma_wait3A] : memref<6144xf32, #tpu.memory_space<vmem>> -> memref<3072xf32, #tpu.memory_space<vmem>>
    %dma_wait3A_63 = tpu.memref_slice %arg2[%select_n3A, %mul3A_34] : memref<16x6144xf32, #tpu.memory_space<hbm>> -> memref<1x3072xf32, #tpu.memory_space<hbm>>
    %dma_wait3A_64 = tpu.memref_squeeze %dma_wait3A_63 : memref<1x3072xf32, #tpu.memory_space<hbm>> -> memref<3072xf32, #tpu.memory_space<hbm>>
    %dma_wait3A_65 = arith.constant 0 : i32
    %dma_wait3A_66 = tpu.memref_slice %arg5[%dma_wait3A_65] : memref<6144xf32, #tpu.memory_space<vmem>> -> memref<3072xf32, #tpu.memory_space<vmem>>
    %dma_wait3A_67 = tpu.memref_slice %arg2[%select_n3A, %mul3A_34] : memref<16x6144xf32, #tpu.memory_space<hbm>> -> memref<1x3072xf32, #tpu.memory_space<hbm>>
    %dma_wait3A_68 = tpu.memref_squeeze %dma_wait3A_67 : memref<1x3072xf32, #tpu.memory_space<hbm>> -> memref<3072xf32, #tpu.memory_space<hbm>>
    tpu.wait_dma2 semaphore(%arg8 : memref<!tpu.dma_semaphore, #tpu.memory_space<semaphore_mem>>) src(%dma_wait3A_68 : memref<3072xf32, #tpu.memory_space<hbm>>) dst(%dma_wait3A_66 : memref<3072xf32, #tpu.memory_space<vmem>>)
    %parallel_loop3A = arith.constant 0 : i32
    %parallel_loop3A_69 = arith.constant 64 : i32
    %parallel_loop3A_70 = arith.constant 1 : i32
    scf.for %parallel_loop3A_132 = %parallel_loop3A to %parallel_loop3A_69 step %parallel_loop3A_70  : i32 {
      %parallel_loop3A_133 = arith.constant 48 : i32
      %parallel_loop3A_134 = arith.muli %parallel_loop3A_133, %parallel_loop3A_132 : i32
      %parallel_loop3A_135 = arith.constant 0 : i32
      %parallel_loop3A_136 = arith.addi %parallel_loop3A_135, %parallel_loop3A_134 : i32
      %parallel_loop3A_137 = arith.constant 16 : i32
      %parallel_loop3A_138 = arith.muli %parallel_loop3A_137, %parallel_loop3A_132 : i32
      %parallel_loop3A_139 = arith.constant 0 : i32
      %parallel_loop3A_140 = arith.addi %parallel_loop3A_139, %parallel_loop3A_138 : i32
      %parallel_loop3A_141 = vector.broadcast %parallel_loop3A_136 : i32 to vector<16xi32>
      %parallel_loop3A_142 = arith.addi %parallel_loop3A_141, %mul3A_56 : vector<16xi32>
      %parallel_loop3A_143 = arith.constant 2 : i32
      %parallel_loop3A_144 = vector.broadcast %parallel_loop3A_143 : i32 to vector<16xi32>
      %parallel_loop3A_145 = arith.addi %parallel_loop3A_142, %parallel_loop3A_144 : vector<16xi32>
      %parallel_loop3A_146 = tpu.vector_load_idx %arg5[%parallel_loop3A_145] : memref<6144xf32, #tpu.memory_space<vmem>>[vector<16xi32>], vector<16xf32>,
      %parallel_loop3A_147 = arith.cmpf ogt, %parallel_loop3A_146, %broadcast_in_dim3A_57 : vector<16xf32>
      %parallel_loop3A_148 = vector.broadcast %parallel_loop3A_136 : i32 to vector<16xi32>
      %parallel_loop3A_149 = arith.addi %parallel_loop3A_148, %mul3A_56 : vector<16xi32>
      %parallel_loop3A_150 = tpu.vector_load_idx %arg5[%parallel_loop3A_149] : memref<6144xf32, #tpu.memory_space<vmem>>[vector<16xi32>], vector<16xf32>,
      %parallel_loop3A_151 = vector.broadcast %parallel_loop3A_136 : i32 to vector<16xi32>
      %parallel_loop3A_152 = arith.addi %parallel_loop3A_151, %mul3A_56 : vector<16xi32>
      %parallel_loop3A_153 = arith.constant 1 : i32
      %parallel_loop3A_154 = vector.broadcast %parallel_loop3A_153 : i32 to vector<16xi32>
      %parallel_loop3A_155 = arith.addi %parallel_loop3A_152, %parallel_loop3A_154 : vector<16xi32>
      %parallel_loop3A_156 = tpu.vector_load_idx %arg5[%parallel_loop3A_155] : memref<6144xf32, #tpu.memory_space<vmem>>[vector<16xi32>], vector<16xf32>,
      %parallel_loop3A_157 = arith.select %parallel_loop3A_147, %parallel_loop3A_150, %broadcast_in_dim3A_57 : vector<16xi1>, vector<16xf32>
      %parallel_loop3A_158 = arith.constant 0 : i32
      %parallel_loop3A_159 = arith.index_cast %parallel_loop3A_158 : i32 to index
      %parallel_loop3A_160 = arith.index_cast %parallel_loop3A_140 : i32 to index
      %parallel_loop3A_161 = tpu.vector_load %arg6[%parallel_loop3A_159, %parallel_loop3A_160] {strides = array<i32>} : memref<3x2048xf32, #tpu.memory_space<vmem>>, vector<16xf32>,
      tpu.vector_store %arg6[%parallel_loop3A_159, %parallel_loop3A_160], %parallel_loop3A_157 {strides = array<i32>} : memref<3x2048xf32, #tpu.memory_space<vmem>>, vector<16xf32>,
      %parallel_loop3A_162 = arith.select %parallel_loop3A_147, %parallel_loop3A_156, %broadcast_in_dim3A_57 : vector<16xi1>, vector<16xf32>
      %parallel_loop3A_163 = arith.constant 1 : i32
      %parallel_loop3A_164 = arith.index_cast %parallel_loop3A_163 : i32 to index
      %parallel_loop3A_165 = arith.index_cast %parallel_loop3A_140 : i32 to index
      %parallel_loop3A_166 = tpu.vector_load %arg6[%parallel_loop3A_164, %parallel_loop3A_165] {strides = array<i32>} : memref<3x2048xf32, #tpu.memory_space<vmem>>, vector<16xf32>,
      tpu.vector_store %arg6[%parallel_loop3A_164, %parallel_loop3A_165], %parallel_loop3A_162 {strides = array<i32>} : memref<3x2048xf32, #tpu.memory_space<vmem>>, vector<16xf32>,
      %parallel_loop3A_167 = arith.select %parallel_loop3A_147, %parallel_loop3A_146, %broadcast_in_dim3A_57 : vector<16xi1>, vector<16xf32>
      %parallel_loop3A_168 = arith.constant 2 : i32
      %parallel_loop3A_169 = arith.index_cast %parallel_loop3A_168 : i32 to index
      %parallel_loop3A_170 = arith.index_cast %parallel_loop3A_140 : i32 to index
      %parallel_loop3A_171 = tpu.vector_load %arg6[%parallel_loop3A_169, %parallel_loop3A_170] {strides = array<i32>} : memref<3x2048xf32, #tpu.memory_space<vmem>>, vector<16xf32>,
      tpu.vector_store %arg6[%parallel_loop3A_169, %parallel_loop3A_170], %parallel_loop3A_167 {strides = array<i32>} : memref<3x2048xf32, #tpu.memory_space<vmem>>, vector<16xf32>,
      %parallel_loop3A_172 = arith.select %parallel_loop3A_147, %broadcast_in_dim3A_61, %broadcast_in_dim3A_59 : vector<16xi1>, vector<16xi32>
      %parallel_loop3A_173 = arith.index_cast %parallel_loop3A_140 : i32 to index
      %parallel_loop3A_174 = tpu.vector_load %arg7[%parallel_loop3A_173] {strides = array<i32>} : memref<2048xi32, #tpu.memory_space<vmem>>, vector<16xi32>,
      tpu.vector_store %arg7[%parallel_loop3A_173], %parallel_loop3A_172 {strides = array<i32>} : memref<2048xi32, #tpu.memory_space<vmem>>, vector<16xi32>,
    } {sc.loop_unroll_factor = 4 : i64, sc.parallel_access}
    %dma_start3A_71 = arith.constant 0 : i32
    %dma_start3A_72 = arith.constant 0 : i32
    %dma_start3A_73 = tpu.memref_slice %arg6[%dma_start3A_71, %dma_start3A_72] : memref<3x2048xf32, #tpu.memory_space<vmem>> -> memref<3x1024xf32, #tpu.memory_space<vmem>>
    %dma_start3A_74 = arith.constant 0 : i32
    %dma_start3A_75 = tpu.memref_slice %arg3[%dma_start3A_74, %select_n3A, %mul3A_32] : memref<3x16x2048xf32, #tpu.memory_space<hbm>> -> memref<3x1x1024xf32, #tpu.memory_space<hbm>>
    %dma_start3A_76 = tpu.memref_squeeze %dma_start3A_75 : memref<3x1x1024xf32, #tpu.memory_space<hbm>> -> memref<3x1024xf32, #tpu.memory_space<hbm>>
    %dma_start3A_77 = arith.constant 0 : i32
    %dma_start3A_78 = tpu.memref_slice %arg3[%dma_start3A_77, %select_n3A, %mul3A_32] : memref<3x16x2048xf32, #tpu.memory_space<hbm>> -> memref<3x1x1024xf32, #tpu.memory_space<hbm>>
    %dma_start3A_79 = tpu.memref_squeeze %dma_start3A_78 : memref<3x1x1024xf32, #tpu.memory_space<hbm>> -> memref<3x1024xf32, #tpu.memory_space<hbm>>
    %dma_start3A_80 = arith.constant 0 : i32
    %dma_start3A_81 = arith.constant 0 : i32
    %dma_start3A_82 = tpu.memref_slice %arg6[%dma_start3A_80, %dma_start3A_81] : memref<3x2048xf32, #tpu.memory_space<vmem>> -> memref<3x1024xf32, #tpu.memory_space<vmem>>
    tpu.enqueue_dma source(%dma_start3A_82 : memref<3x1024xf32, #tpu.memory_space<vmem>>) target(%dma_start3A_79 : memref<3x1024xf32, #tpu.memory_space<hbm>>) target_semaphore(%arg10 : memref<!tpu.dma_semaphore, #tpu.memory_space<semaphore_mem>>)
    %dma_wait3A_83 = arith.constant 3072 : i32
    %dma_wait3A_84 = tpu.memref_slice %arg5[%dma_wait3A_83] : memref<6144xf32, #tpu.memory_space<vmem>> -> memref<3072xf32, #tpu.memory_space<vmem>>
    %dma_wait3A_85 = tpu.memref_slice %arg2[%select_n3A, %add3A_45] : memref<16x6144xf32, #tpu.memory_space<hbm>> -> memref<1x3072xf32, #tpu.memory_space<hbm>>
    %dma_wait3A_86 = tpu.memref_squeeze %dma_wait3A_85 : memref<1x3072xf32, #tpu.memory_space<hbm>> -> memref<3072xf32, #tpu.memory_space<hbm>>
    %dma_wait3A_87 = arith.constant 3072 : i32
    %dma_wait3A_88 = tpu.memref_slice %arg5[%dma_wait3A_87] : memref<6144xf32, #tpu.memory_space<vmem>> -> memref<3072xf32, #tpu.memory_space<vmem>>
    %dma_wait3A_89 = tpu.memref_slice %arg2[%select_n3A, %add3A_45] : memref<16x6144xf32, #tpu.memory_space<hbm>> -> memref<1x3072xf32, #tpu.memory_space<hbm>>
    %dma_wait3A_90 = tpu.memref_squeeze %dma_wait3A_89 : memref<1x3072xf32, #tpu.memory_space<hbm>> -> memref<3072xf32, #tpu.memory_space<hbm>>
    tpu.wait_dma2 semaphore(%arg9 : memref<!tpu.dma_semaphore, #tpu.memory_space<semaphore_mem>>) src(%dma_wait3A_90 : memref<3072xf32, #tpu.memory_space<hbm>>) dst(%dma_wait3A_88 : memref<3072xf32, #tpu.memory_space<vmem>>)
    %parallel_loop3A_91 = arith.constant 0 : i32
    %parallel_loop3A_92 = arith.constant 64 : i32
    %parallel_loop3A_93 = arith.constant 1 : i32
    scf.for %parallel_loop3A_132 = %parallel_loop3A_91 to %parallel_loop3A_92 step %parallel_loop3A_93  : i32 {
      %parallel_loop3A_133 = arith.constant 48 : i32
      %parallel_loop3A_134 = arith.muli %parallel_loop3A_133, %parallel_loop3A_132 : i32
      %parallel_loop3A_135 = arith.constant 3072 : i32
      %parallel_loop3A_136 = arith.addi %parallel_loop3A_135, %parallel_loop3A_134 : i32
      %parallel_loop3A_137 = arith.constant 16 : i32
      %parallel_loop3A_138 = arith.muli %parallel_loop3A_137, %parallel_loop3A_132 : i32
      %parallel_loop3A_139 = arith.constant 1024 : i32
      %parallel_loop3A_140 = arith.addi %parallel_loop3A_139, %parallel_loop3A_138 : i32
      %parallel_loop3A_141 = vector.broadcast %parallel_loop3A_136 : i32 to vector<16xi32>
      %parallel_loop3A_142 = arith.addi %parallel_loop3A_141, %mul3A_56 : vector<16xi32>
      %parallel_loop3A_143 = arith.constant 2 : i32
      %parallel_loop3A_144 = vector.broadcast %parallel_loop3A_143 : i32 to vector<16xi32>
      %parallel_loop3A_145 = arith.addi %parallel_loop3A_142, %parallel_loop3A_144 : vector<16xi32>
      %parallel_loop3A_146 = tpu.vector_load_idx %arg5[%parallel_loop3A_145] : memref<6144xf32, #tpu.memory_space<vmem>>[vector<16xi32>], vector<16xf32>,
      %parallel_loop3A_147 = arith.cmpf ogt, %parallel_loop3A_146, %broadcast_in_dim3A_57 : vector<16xf32>
      %parallel_loop3A_148 = vector.broadcast %parallel_loop3A_136 : i32 to vector<16xi32>
      %parallel_loop3A_149 = arith.addi %parallel_loop3A_148, %mul3A_56 : vector<16xi32>
      %parallel_loop3A_150 = tpu.vector_load_idx %arg5[%parallel_loop3A_149] : memref<6144xf32, #tpu.memory_space<vmem>>[vector<16xi32>], vector<16xf32>,
      %parallel_loop3A_151 = vector.broadcast %parallel_loop3A_136 : i32 to vector<16xi32>
      %parallel_loop3A_152 = arith.addi %parallel_loop3A_151, %mul3A_56 : vector<16xi32>
      %parallel_loop3A_153 = arith.constant 1 : i32
      %parallel_loop3A_154 = vector.broadcast %parallel_loop3A_153 : i32 to vector<16xi32>
      %parallel_loop3A_155 = arith.addi %parallel_loop3A_152, %parallel_loop3A_154 : vector<16xi32>
      %parallel_loop3A_156 = tpu.vector_load_idx %arg5[%parallel_loop3A_155] : memref<6144xf32, #tpu.memory_space<vmem>>[vector<16xi32>], vector<16xf32>,
      %parallel_loop3A_157 = arith.select %parallel_loop3A_147, %parallel_loop3A_150, %broadcast_in_dim3A_57 : vector<16xi1>, vector<16xf32>
      %parallel_loop3A_158 = arith.constant 0 : i32
      %parallel_loop3A_159 = arith.index_cast %parallel_loop3A_158 : i32 to index
      %parallel_loop3A_160 = arith.index_cast %parallel_loop3A_140 : i32 to index
      %parallel_loop3A_161 = tpu.vector_load %arg6[%parallel_loop3A_159, %parallel_loop3A_160] {strides = array<i32>} : memref<3x2048xf32, #tpu.memory_space<vmem>>, vector<16xf32>,
      tpu.vector_store %arg6[%parallel_loop3A_159, %parallel_loop3A_160], %parallel_loop3A_157 {strides = array<i32>} : memref<3x2048xf32, #tpu.memory_space<vmem>>, vector<16xf32>,
      %parallel_loop3A_162 = arith.select %parallel_loop3A_147, %parallel_loop3A_156, %broadcast_in_dim3A_57 : vector<16xi1>, vector<16xf32>
      %parallel_loop3A_163 = arith.constant 1 : i32
      %parallel_loop3A_164 = arith.index_cast %parallel_loop3A_163 : i32 to index
      %parallel_loop3A_165 = arith.index_cast %parallel_loop3A_140 : i32 to index
      %parallel_loop3A_166 = tpu.vector_load %arg6[%parallel_loop3A_164, %parallel_loop3A_165] {strides = array<i32>} : memref<3x2048xf32, #tpu.memory_space<vmem>>, vector<16xf32>,
      tpu.vector_store %arg6[%parallel_loop3A_164, %parallel_loop3A_165], %parallel_loop3A_162 {strides = array<i32>} : memref<3x2048xf32, #tpu.memory_space<vmem>>, vector<16xf32>,
      %parallel_loop3A_167 = arith.select %parallel_loop3A_147, %parallel_loop3A_146, %broadcast_in_dim3A_57 : vector<16xi1>, vector<16xf32>
      %parallel_loop3A_168 = arith.constant 2 : i32
      %parallel_loop3A_169 = arith.index_cast %parallel_loop3A_168 : i32 to index
      %parallel_loop3A_170 = arith.index_cast %parallel_loop3A_140 : i32 to index
      %parallel_loop3A_171 = tpu.vector_load %arg6[%parallel_loop3A_169, %parallel_loop3A_170] {strides = array<i32>} : memref<3x2048xf32, #tpu.memory_space<vmem>>, vector<16xf32>,
      tpu.vector_store %arg6[%parallel_loop3A_169, %parallel_loop3A_170], %parallel_loop3A_167 {strides = array<i32>} : memref<3x2048xf32, #tpu.memory_space<vmem>>, vector<16xf32>,
      %parallel_loop3A_172 = arith.select %parallel_loop3A_147, %broadcast_in_dim3A_61, %broadcast_in_dim3A_59 : vector<16xi1>, vector<16xi32>
      %parallel_loop3A_173 = arith.index_cast %parallel_loop3A_140 : i32 to index
      %parallel_loop3A_174 = tpu.vector_load %arg7[%parallel_loop3A_173] {strides = array<i32>} : memref<2048xi32, #tpu.memory_space<vmem>>, vector<16xi32>,
      tpu.vector_store %arg7[%parallel_loop3A_173], %parallel_loop3A_172 {strides = array<i32>} : memref<2048xi32, #tpu.memory_space<vmem>>, vector<16xi32>,
    } {sc.loop_unroll_factor = 4 : i64, sc.parallel_access}
    %add3A_94 = arith.constant 1024 : i32
    %add3A_95 = arith.addi %mul3A_32, %add3A_94 : i32
    %dma_start3A_96 = arith.constant 0 : i32
    %dma_start3A_97 = arith.constant 1024 : i32
    %dma_start3A_98 = tpu.memref_slice %arg6[%dma_start3A_96, %dma_start3A_97] : memref<3x2048xf32, #tpu.memory_space<vmem>> -> memref<3x1024xf32, #tpu.memory_space<vmem>>
    %dma_start3A_99 = arith.constant 0 : i32
    %dma_start3A_100 = tpu.memref_slice %arg3[%dma_start3A_99, %select_n3A, %add3A_95] : memref<3x16x2048xf32, #tpu.memory_space<hbm>> -> memref<3x1x1024xf32, #tpu.memory_space<hbm>>
    %dma_start3A_101 = tpu.memref_squeeze %dma_start3A_100 : memref<3x1x1024xf32, #tpu.memory_space<hbm>> -> memref<3x1024xf32, #tpu.memory_space<hbm>>
    %dma_start3A_102 = arith.constant 0 : i32
    %dma_start3A_103 = tpu.memref_slice %arg3[%dma_start3A_102, %select_n3A, %add3A_95] : memref<3x16x2048xf32, #tpu.memory_space<hbm>> -> memref<3x1x1024xf32, #tpu.memory_space<hbm>>
    %dma_start3A_104 = tpu.memref_squeeze %dma_start3A_103 : memref<3x1x1024xf32, #tpu.memory_space<hbm>> -> memref<3x1024xf32, #tpu.memory_space<hbm>>
    %dma_start3A_105 = arith.constant 0 : i32
    %dma_start3A_106 = arith.constant 1024 : i32
    %dma_start3A_107 = tpu.memref_slice %arg6[%dma_start3A_105, %dma_start3A_106] : memref<3x2048xf32, #tpu.memory_space<vmem>> -> memref<3x1024xf32, #tpu.memory_space<vmem>>
    tpu.enqueue_dma source(%dma_start3A_107 : memref<3x1024xf32, #tpu.memory_space<vmem>>) target(%dma_start3A_104 : memref<3x1024xf32, #tpu.memory_space<hbm>>) target_semaphore(%arg10 : memref<!tpu.dma_semaphore, #tpu.memory_space<semaphore_mem>>)
    "tpu.region"() ({
      %run_scoped3A = tpu.sem_alloc : memref<!tpu.dma_semaphore, #tpu.memory_space<semaphore_mem>>
      %dma_start3A_132 = tpu.memref_slice %arg4[%select_n3A, %mul3A_32] : memref<16x2048xi32, #tpu.memory_space<hbm>> -> memref<1x2048xi32, #tpu.memory_space<hbm>>
      %dma_start3A_133 = tpu.memref_squeeze %dma_start3A_132 : memref<1x2048xi32, #tpu.memory_space<hbm>> -> memref<2048xi32, #tpu.memory_space<hbm>>
      %dma_start3A_134 = tpu.memref_slice %arg4[%select_n3A, %mul3A_32] : memref<16x2048xi32, #tpu.memory_space<hbm>> -> memref<1x2048xi32, #tpu.memory_space<hbm>>
      %dma_start3A_135 = tpu.memref_squeeze %dma_start3A_134 : memref<1x2048xi32, #tpu.memory_space<hbm>> -> memref<2048xi32, #tpu.memory_space<hbm>>
      tpu.enqueue_dma source(%arg7 : memref<2048xi32, #tpu.memory_space<vmem>>) target(%dma_start3A_135 : memref<2048xi32, #tpu.memory_space<hbm>>) target_semaphore(%run_scoped3A : memref<!tpu.dma_semaphore, #tpu.memory_space<semaphore_mem>>)
      %dma_wait3A_136 = tpu.memref_slice %arg4[%select_n3A, %mul3A_32] : memref<16x2048xi32, #tpu.memory_space<hbm>> -> memref<1x2048xi32, #tpu.memory_space<hbm>>
      %dma_wait3A_137 = tpu.memref_squeeze %dma_wait3A_136 : memref<1x2048xi32, #tpu.memory_space<hbm>> -> memref<2048xi32, #tpu.memory_space<hbm>>
      %dma_wait3A_138 = tpu.memref_slice %arg4[%select_n3A, %mul3A_32] : memref<16x2048xi32, #tpu.memory_space<hbm>> -> memref<1x2048xi32, #tpu.memory_space<hbm>>
      %dma_wait3A_139 = tpu.memref_squeeze %dma_wait3A_138 : memref<1x2048xi32, #tpu.memory_space<hbm>> -> memref<2048xi32, #tpu.memory_space<hbm>>
      tpu.wait_dma2 semaphore(%run_scoped3A : memref<!tpu.dma_semaphore, #tpu.memory_space<semaphore_mem>>) src(%arg7 : memref<2048xi32, #tpu.memory_space<vmem>>) dst(%dma_wait3A_139 : memref<2048xi32, #tpu.memory_space<hbm>>)
      tpu.yield
    }) : () -> ()
    %dma_wait3A_108 = arith.constant 0 : i32
    %dma_wait3A_109 = arith.constant 0 : i32
    %dma_wait3A_110 = tpu.memref_slice %arg6[%dma_wait3A_108, %dma_wait3A_109] : memref<3x2048xf32, #tpu.memory_space<vmem>> -> memref<3x1024xf32, #tpu.memory_space<vmem>>
    %dma_wait3A_111 = arith.constant 0 : i32
    %dma_wait3A_112 = tpu.memref_slice %arg3[%dma_wait3A_111, %select_n3A, %mul3A_32] : memref<3x16x2048xf32, #tpu.memory_space<hbm>> -> memref<3x1x1024xf32, #tpu.memory_space<hbm>>
    %dma_wait3A_113 = tpu.memref_squeeze %dma_wait3A_112 : memref<3x1x1024xf32, #tpu.memory_space<hbm>> -> memref<3x1024xf32, #tpu.memory_space<hbm>>
    %dma_wait3A_114 = arith.constant 0 : i32
    %dma_wait3A_115 = tpu.memref_slice %arg3[%dma_wait3A_114, %select_n3A, %mul3A_32] : memref<3x16x2048xf32, #tpu.memory_space<hbm>> -> memref<3x1x1024xf32, #tpu.memory_space<hbm>>
    %dma_wait3A_116 = tpu.memref_squeeze %dma_wait3A_115 : memref<3x1x1024xf32, #tpu.memory_space<hbm>> -> memref<3x1024xf32, #tpu.memory_space<hbm>>
    %dma_wait3A_117 = arith.constant 0 : i32
    %dma_wait3A_118 = arith.constant 0 : i32
    %dma_wait3A_119 = tpu.memref_slice %arg6[%dma_wait3A_117, %dma_wait3A_118] : memref<3x2048xf32, #tpu.memory_space<vmem>> -> memref<3x1024xf32, #tpu.memory_space<vmem>>
    tpu.wait_dma2 semaphore(%arg10 : memref<!tpu.dma_semaphore, #tpu.memory_space<semaphore_mem>>) src(%dma_wait3A_119 : memref<3x1024xf32, #tpu.memory_space<vmem>>) dst(%dma_wait3A_116 : memref<3x1024xf32, #tpu.memory_space<hbm>>)
    %dma_wait3A_120 = arith.constant 0 : i32
    %dma_wait3A_121 = arith.constant 1024 : i32
    %dma_wait3A_122 = tpu.memref_slice %arg6[%dma_wait3A_120, %dma_wait3A_121] : memref<3x2048xf32, #tpu.memory_space<vmem>> -> memref<3x1024xf32, #tpu.memory_space<vmem>>
    %dma_wait3A_123 = arith.constant 0 : i32
    %dma_wait3A_124 = tpu.memref_slice %arg3[%dma_wait3A_123, %select_n3A, %add3A_95] : memref<3x16x2048xf32, #tpu.memory_space<hbm>> -> memref<3x1x1024xf32, #tpu.memory_space<hbm>>
    %dma_wait3A_125 = tpu.memref_squeeze %dma_wait3A_124 : memref<3x1x1024xf32, #tpu.memory_space<hbm>> -> memref<3x1024xf32, #tpu.memory_space<hbm>>
    %dma_wait3A_126 = arith.constant 0 : i32
    %dma_wait3A_127 = tpu.memref_slice %arg3[%dma_wait3A_126, %select_n3A, %add3A_95] : memref<3x16x2048xf32, #tpu.memory_space<hbm>> -> memref<3x1x1024xf32, #tpu.memory_space<hbm>>
    %dma_wait3A_128 = tpu.memref_squeeze %dma_wait3A_127 : memref<3x1x1024xf32, #tpu.memory_space<hbm>> -> memref<3x1024xf32, #tpu.memory_space<hbm>>
    %dma_wait3A_129 = arith.constant 0 : i32
    %dma_wait3A_130 = arith.constant 1024 : i32
    %dma_wait3A_131 = tpu.memref_slice %arg6[%dma_wait3A_129, %dma_wait3A_130] : memref<3x2048xf32, #tpu.memory_space<vmem>> -> memref<3x1024xf32, #tpu.memory_space<vmem>>
    tpu.wait_dma2 semaphore(%arg10 : memref<!tpu.dma_semaphore, #tpu.memory_space<semaphore_mem>>) src(%dma_wait3A_131 : memref<3x1024xf32, #tpu.memory_space<vmem>>) dst(%dma_wait3A_128 : memref<3x1024xf32, #tpu.memory_space<hbm>>)
    return
  }
}

</mosaic_0001>

<sc_bundles>
// kernel: kernel.3.cloned.1.call-start
scs
__scs_entry_jumppad:
0x0: {  	(pc) =	sbr.rel $0x88, $3  }
0x1: {  	(tag) =	ssettag $0x0;
	lr =	simm.s32 $0x1  }
0x2: {  	[smem:$0x3FA0] =	sst lr;
	_ =	strace $0xD0000000  }
0x3: {  	_ = 	snop  }
0x4: {  	_ = 	snop  }
0x5: {  	_ = 	snop  }
0x6: {  	_ = 	snop  }
0x7: {  	_ = 	snop  }
__scs_overlays_trampoline_lowered:
0x8: {  	[smem:$0x3FAF] =	sst s0  }
0x9: {  	[smem:$0x3FB0] =	sst s1  }
0xa: {  	[smem:$0x3FB1] =	sst s2  }
0xb: {  	[smem:$0x3FB2] =	sst s3  }
0xc: {  	[smem:$0x3FB3] =	sst s4  }
0xd: {  	[smem:$0x3FB4] =	sst s5  }
0xe: {  	[smem:$0x3FB5] =	sst s6  }
0xf: {  	[smem:$0x3FB6] =	sst s7  }
0x10: {  	[smem:$0x3FB7] =	sst s8  }
0x11: {  	[smem:$0x3FB8] =	sst s9;
	s0 =	simm.s32 @!p0 $0x0  }
0x12: {  	s1 =	sld [smem:$0x3F9E];
	s0 =	simm.s32 @p0 $0x1  }
0x13: {  	[smem:$0x3FB9] =	sst s0;
	s0 =	simm.s32 @!p1 $0x0  }
0x14: {  	s2 =	sld [smem:$0x3F9D];
	s0 =	simm.s32 @p1 $0x1  }
0x15: {  	[smem:$0x3FBA] =	sst s0;
	s0 =	simm.s32 @!p2 $0x0  }
0x16: {  	s3 =	sld [smem:$0x3FDB];
	s0 =	simm.s32 @p2 $0x1  }
0x17: {  	s4 =	simm.s32 $0x1BF5;
	[smem:$0x3FBC] =	sst s0  }
0x18: {  	s0 =	sld [smem:$0x3F9F];
	_ =	swait.ge [sflag:s4], $0x0  }
0x19: {  	s7 =	sld [smem:$0x3FA0]  }
0x1a: {  	s8 =	sadd.s32 $0xFFFFE003, lr  }
0x1b: {  	s9 =	sadd.s32 $0xFFFFFEF7, lr;
	s5 =	simm.s32 $0xFFFFFFFF;
	p2 =	slt.u32 s8, $0xFFFFF086  }
0x1c: {  	p1 =	slt.u32 s9, $0xF7A;
	s5 =	simm.s32 @!p2 $0x0  }
0x1d: {  	s5 =	simm.s32 @p1 $0x1;
	p0 =	seq.s32 s7, s2  }
0x1e: {  	s7 =	smul.u32 @!p0 $0xF7A, s2;
	p2 =	seq.s32 @!p0 s5, $0x0  }
0x1f: {  	s9 =	smul.u32 $0xF7A, s1;
	s8 =	simm.s32 @!p0 $0x1BF5;
	p2 =	por !p2, p0  }
0x20: {  	[sflag:s8] =	ssyncset.s32 @!p0 $0xFFFFF086;
	s6 =	sadd.s32 @!p0 s3, s7;
	s7 =	simm.s32 @!p0 $0x108  }
0x21: {  	s3 =	sadd.s32 s3, s9;
	s6 =	sadd.s32 @!p0 $0x88, s6;
	s7 =	simm.s32 @p2 $0x1082  }
0x22: {  	[simem:s7], [sflag:s8] =	dma.local @!p0 [hbm:s6], $0xF7A  }
0x23: {  	s9 =	sor.u32 $0xD0000000, s2;
	s6 =	simm.s32 $0x108;
	_ =	swait.ge @!p0 [sflag:s8], $0x0  }
0x24: {  	s3 =	sadd.s32 $0x88, s3;
	s6 =	simm.s32 @!p1 $0x1082;
	[sflag:s4] =	ssyncset.s32 $0xFFFFF086  }
0x25: {  	[simem:s6], [sflag:s4] =	dma.local [hbm:s3], $0xF7A  }
0x26: {  	[smem:$0x3FA0] =	sst s1;
	(tag) =	ssettag s2;
	_ =	strace s9  }
0x27: {  	s1 =	sld [smem:$0x3FB0]  }
0x28: {  	s2 =	sld [smem:$0x3FB1]  }
0x29: {  	s4 =	sld [smem:$0x3FB3]  }
0x2a: {  	p0 =	seq.s32 s5, $0x0;
	s5 =	sld [smem:$0x3FB4]  }
0x2b: {  	s6 =	sld [smem:$0x3FB5]  }
0x2c: {  	s7 =	sld [smem:$0x3FB6]  }
0x2d: {  	s3 =	simm.s32 $0x108;
	s8 =	sld [smem:$0x3FB7]  }
0x2e: {  	s3 =	simm.s32 @!p0 $0x1082;
	s9 =	sld [smem:$0x3FB8]  }
0x2f: {  	lr =	sadd.s32 s0, s3;
	s0 =	sld [smem:$0x3FAF]  }
0x30: {  	s3 =	sld [smem:$0x3FB2]  }
0x31: {  	[smem:$0x3FBB] =	sst s10  }
0x32: {  	s10 =	sld [smem:$0x3FB9];
	_ =	sdelay $0x3  }
0x33: {  	p0 =	seq.s32 s10, $0x1;
	s10 =	sld [smem:$0x3FBB];
	_ =	sdelay $0x3  }
0x34: {  	[smem:$0x3FBB] =	sst s10  }
0x35: {  	s10 =	sld [smem:$0x3FBA];
	_ =	sdelay $0x3  }
0x36: {  	p1 =	seq.s32 s10, $0x1;
	s10 =	sld [smem:$0x3FBB];
	_ =	sdelay $0x3  }
0x37: {  	[smem:$0x3FBB] =	sst s10  }
0x38: {  	s10 =	sld [smem:$0x3FBC]  }
0x39: {  	_ = 	snop;
	(pc) =	sbr.ind lr, $3  }
0x3a: {  	_ = 	snop  }
0x3b: {  	_ = 	snop  }
0x3c: {  	p2 =	seq.s32 s10, $0x1;
	s10 =	sld [smem:$0x3FBB]  }
0x3d: {  	_ =	shalt  }
0x3e: {  	_ =	shalt  }
0x3f: {  	_ =	shalt  }
0x40: {  	_ =	shalt  }
0x41: {  	_ =	shalt  }
0x42: {  	_ =	shalt  }
0x43: {  	_ =	shalt  }
0x44: {  	_ =	shalt  }
0x45: {  	_ =	shalt  }
0x46: {  	_ =	shalt  }
0x47: {  	_ =	shalt  }
0x48: {  	_ =	shalt  }
0x49: {  	_ =	shalt  }
0x4a: {  	_ =	shalt  }
0x4b: {  	_ =	shalt  }
0x4c: {  	_ =	shalt  }
0x4d: {  	_ =	shalt  }
0x4e: {  	_ =	shalt  }
0x4f: {  	_ =	shalt  }
0x50: {  	_ =	shalt  }
0x51: {  	_ =	shalt  }
0x52: {  	_ =	shalt  }
0x53: {  	_ =	shalt  }
0x54: {  	_ =	shalt  }
0x55: {  	_ =	shalt  }
0x56: {  	_ =	shalt  }
0x57: {  	_ =	shalt  }
0x58: {  	_ =	shalt  }
0x59: {  	_ =	shalt  }
0x5a: {  	_ =	shalt  }
0x5b: {  	_ =	shalt  }
0x5c: {  	_ =	shalt  }
0x5d: {  	_ =	shalt  }
0x5e: {  	_ =	shalt  }
0x5f: {  	_ =	shalt  }
0x60: {  	_ =	shalt  }
0x61: {  	_ =	shalt  }
0x62: {  	_ =	shalt  }
0x63: {  	_ =	shalt  }
0x64: {  	_ =	shalt  }
0x65: {  	_ =	shalt  }
0x66: {  	_ =	shalt  }
0x67: {  	_ =	shalt  }
0x68: {  	_ =	shalt  }
0x69: {  	_ =	shalt  }
0x6a: {  	_ =	shalt  }
0x6b: {  	_ =	shalt  }
0x6c: {  	_ =	shalt  }
0x6d: {  	_ =	shalt  }
0x6e: {  	_ =	shalt  }
0x6f: {  	_ =	shalt  }
0x70: {  	_ =	shalt  }
0x71: {  	_ =	shalt  }
0x72: {  	_ =	shalt  }
0x73: {  	_ =	shalt  }
0x74: {  	_ =	shalt  }
0x75: {  	_ =	shalt  }
0x76: {  	_ =	shalt  }
0x77: {  	_ =	shalt  }
0x78: {  	_ =	shalt  }
0x79: {  	_ =	shalt  }
0x7a: {  	_ =	shalt  }
0x7b: {  	_ =	shalt  }
0x7c: {  	_ =	shalt  }
0x7d: {  	_ =	shalt  }
0x7e: {  	_ =	shalt  }
0x7f: {  	_ =	shalt  }
0x80: {  	_ =	shalt  }
0x81: {  	_ =	shalt  }
0x82: {  	_ =	shalt  }
0x83: {  	_ =	shalt  }
0x84: {  	_ =	shalt  }
0x85: {  	_ =	shalt  }
0x86: {  	_ =	shalt  }
0x87: {  	_ =	shalt  }
.Lfunc_end0:
.L_simem_size_0:
called_computation_lowered:
.L_overlay_start_0:
0x88: {  	s0 =	sld [smem:$0x3FD9]  }
0x89: {  	s1 =	sld [smem:$0x3FFE];
	_ =	sdelay $0x3  }
0x8a: {  	s0 =	sadd.s32 s1, s0  }
0x8b: {  	[smem:$0x3FC7] =	sst s0  }
0x8c: {  	_ = 	snop  }
0x8d: {  	s0 =	sld [smem:$0x3FD0];
	_ =	sdelay $0x2  }
0x8e: {  	s2 =	simm.s32 $0xA;
	s3 =	simm.s32 $0x10;
	s13 =	sld [smem:$0x3FC9]  }
0x8f: {  	[smem:s3], [sflag:s2] =	dma.local [hbm:s0], $0x1  }
0x90: {  	_ =	swait.eq [sflag:s2], $0x1  }
0x91: {  	[sflag:s2] =	ssyncset.done $0x0  }
0x92: {  	[sflag:s2] =	ssyncadd.s32 $0xFFFFFFFF  }
0x93: {  	s14 =	sld [smem:$0x10];
	(tm) =	ssettm $0x1  }
0x94: {  	s15 =	sld [smem:$0x3FFB];
	_ =	sdelay $0x3  }
0x95: {  	_ =	strace s15  }
0x96: {  	s2 =	sld [smem:$0x3FFC];
	_ =	sdelay $0x3  }
0x97: {  	_ =	strace s2  }
0x98: {  	s2 =	sld [smem:$0x3FFD];
	_ =	sdelay $0x3  }
0x99: {  	_ =	strace s2  }
0x9a: {  	_ =	strace $0x8FFFFFFF  }
0x9b: {  	s16 =	sld [smem:$0x3FDB];
	_ =	sdelay $0x1  }
0x9c: {  	s17 =	simm.s32 $_scs_section_size  }
0x9d: {  	s4 =	simm.s32 $_size__tile_overlayer_lowered;
	s5 =	simm.s32 $_tile_overlayer_lowered  }
0x9e: {  	s20 =	simm.s32 $0x1BFF;
	s19 =	sshll.u32 s5, $0x1;
	s2 =	sadd.s32 s17, s16  }
0x9f: {  	s6 =	simm.s32 $0x0;
	s18 =	sshll.u32 s4, $0x1;
	s4 =	sadd.s32 s19, s2  }
0xa0: {  	[timem:s6], [sflag:s20] =	dma.local [hbm:s4], s18  }
0xa1: {  	_ =	swait.ge [sflag:s20], s18  }
0xa2: {  	s3 =	ssub.s32 $0x0, s18;
	[sflag:s20] =	ssyncset.done $0x0  }
0xa3: {  	[sflag:s20] =	ssyncadd.s32 s3;
	_ =	sdelay $0x1  }
0xa4: {  	s21 =	simm.s32 $0x1B8B  }
0xa5: {  	_ =	swait.ge [sflag:s21], $0x1  }
0xa6: {  	[sflag:s21] =	ssyncset.done $0x0  }
0xa7: {  	s23 =	simm.s32 $0x1B8E;
	s22 =	sld [smem:$0x3FFE];
	[sflag:s21] =	ssyncadd.s32 $0xFFFFFFFF  }
0xa8: {  	s24 =	simm.s32 $execute0_lowered;
	[smem:$0x3FD2] =	sst s23  }
0xa9: {  	s4 =	sshll.u32 s24, $0x1;
	_ =	strace $0x80000046;
	[dreg:$0x1] =	wrdreg $0xFFFFFFFF  }
0xaa: {  	s25 =	simm.s32 $_size_execute0_lowered;
	s2 =	sadd.s32 s2, s4;
	[dreg:$0x0] =	wrdreg $0x0  }
0xab: {  	s4 =	sshll.u32 s25, $0x1;
	[dreg:$0x2] =	wrdreg s2  }
0xac: {  	[dreg:$0x3] =	wrdreg s4  }
0xad: {  	[dreg:$0x4] =	wrdreg $0xC0  }
0xae: {  	_ =	task [dreg:s6], $0x5FFFF  }
0xaf: {  	[dreg:$0x1] =	wrdreg $0xFFFFFFFF  }
0xb0: {  	[dreg:$0x0] =	wrdreg $0x60  }
0xb1: {  	[dreg:$0x2] =	wrdreg s13  }
0xb2: {  	[dreg:$0x3] =	wrdreg s14  }
0xb3: {  	[dreg:$0x4] =	wrdreg s22  }
0xb4: {  	[dreg:$0x5] =	wrdreg $0x9  }
0xb5: {  	_ =	task.clear_ibuf [dreg:s6], $0x6FFFF;
	_ =	strace $0x90000046  }
0xb6: {  	s26 =	simm.s32 $0x9;
	_ =	strace $0x80000048  }
0xb7: {  	_ =	swait.ge [sflag:s26], $0x1  }
0xb8: {  	[sflag:s26] =	ssyncadd.s32 $0xFFFFFFFF  }
0xb9: {  	_ =	strace $0x90000048  }
0xba: {  	_ =	sfence  }
0xbb: {  	s28 =	sld [smem:$0x0];
	_ =	sdelay $0x1  }
0xbc: {  	s29 =	srdreg.scid  }
0xbd: {  	s30 =	sshll.u32 s29, $0xD;
	s31 =	sshrl.u32 s29, $0x2  }
0xbe: {  	s1 =	sand.u32 $0x1, s29;
	s2 =	sand.u32 $0x4000, s30;
	s0 =	sadd.s32 s31, s28  }
0xbf: {  	s1 =	sor.u32 s2, s1;
	s0 =	sshll.u32 s0, $0x11  }
0xc0: {  	s0 =	sor.u32 s0, s1  }
0xc1: {  	s0 =	sadd.s32 $0x8F2B, s0  }
0xc2: {  	[sflag:s0] =	ssyncadd.remote.s32 $0x1  }
0xc3: {  	_ =	sfence.sel $0xFFFF  }
0xc4: {  	[dreg:$0x0] =	wrdreg $0xFFFFFFFF;
	(pc) =	sbr.abs _section_cstart, $3  }
0xc5: {  	[dreg:$0x1] =	wrdreg $0xFFFFFFFF  }
0xc6: {  	_ =	task.clear_ibuf [dreg:s6], $0x2FFFF;
	_ =	strace $0x9FFFFFFF  }
0xc7: {  	(tm) =	ssettm $0x7FFFFFFF  }
tec
execute0_lowered:
.L_overlay_start_1:
0x0: {  	(tag) =	ssettag $0x1  }
0x1: {  	s7 =	rddreg [dreg:$0x0]  }
0x2: {  	s0 =	stileid.u32;
	s2 =	rddreg [dreg:$0x1]  }
0x3: {  	s3 =	rddreg [dreg:$0x2];
	s4 =	sshrl.u32 s0, $0x3  }
0x4: {  	s6 =	simm.s32 $0x0;
	s1 =	sshll.u32 s0, $0x7;
	s8 =	smul.u32 $0xC000, s4  }
0x5: {  	s10 =	simm.s32 $0x80;
	s11 =	simm.s32 $0x400;
	s5 =	sand.u32 $0x380, s1  }
0x6: {  	v0 =	vlaneseq.u32;
	s15 =	simm.s32 $0x90;
	[smem:$0x7FF] =	sst s6;
	s8 =	sor.u32 s5, s8  }
0x7: {  	v0 =	vmul.u32 $0x3, v0;
	s1 =	rddreg [dreg:$0x3];
	s9 =	sshrl.u32 s8, $0x3;
	s8 =	sadd.s32 $0x6000, s8  }
0x8: {  	_ =	strace $0x80000047;
	s9 =	sadd.s32 s7, s9;
	s8 =	sshrl.u32 s8, $0x3  }
0x9: {  	v1 =	vadd.s32 $0x2, v0;
	[tilespmem:s6], [sflag:$0x1] =	stream.strided.gather [hbm4b:s9+s10], $0xC00, s11, s10, $0x38;
	[tilespmem:$0x4000] =	vst v63  }
0xa: {  	s14 =	simm.s32 $0xC00;
	s16 =	simm.s32 $0x1;
	v3 =	vadd.s32 s15, v1;
	s7 =	sadd.s32 s7, s8  }
0xb: {  	v2 =	vadd.s32 $0x1, v0;
	v4 =	vadd.s32 s15, v0;
	[tilespmem:s14], [sflag:$0x2] =	stream.strided.gather [hbm4b:s7+s10], $0xC00, s11, s10, $0x38;
	[tilespmem:$0x4000] =	vst v63  }
0xc: {  	s18 =	simm.s32 $0x60;
	v5 =	vadd.s32 s15, v2;
	_ =	swait.ge [sflag:s16], $0xC00  }
0xd: {  	v8 =	vadd.s32 s18, v1;
	[sflag:s16] =	ssyncset.done $0x0  }
0xe: {  	s17 =	simm.s32 $0x30;
	v6 =	vor.u32 s6, v1;
	[sflag:s16] =	ssyncadd.s32 $0xFFFFF400  }
0xf: {  	v7 =	vadd.s32 s17, v1;
	v9 =	vld.idx.msk [tilespmem:v3+s6+$0x0], $0xffff  }
0x10: {  	v11 =	vadd.s32 s18, v0;
	v4 =	vld.idx.msk [tilespmem:v4+s6+$0x0], $0xffff  }
0x11: {  	v3 =	vadd.s32 s17, v0;
	v5 =	vld.idx.msk [tilespmem:v5+s6+$0x0], $0xffff  }
0x12: {  	v12 =	vor.u32 s6, v0;
	v8 =	vld.idx.msk [tilespmem:v8+s6+$0x0], $0xffff  }
0x13: {  	v10 =	vadd.s32 s17, v2;
	v6 =	vld.idx.msk [tilespmem:v6+s6+$0x0], $0xffff  }
0x14: {  	s19 =	simm.s32 $0x30;
	s20 =	sand.u32 $0xE00, s6;
	v14 =	vadd.s32 s18, v2;
	v7 =	vld.idx.msk [tilespmem:v7+s6+$0x0], $0xffff  }
0x15: {  	s9 =	sadd.s32 $0x1800, s20;
	s8 =	sand.u32 $0x70, s19;
	v11 =	vld.idx.msk [tilespmem:v11+s6+$0x0], $0xffff;
	vm0 =	vgt.f32 v9, $0.0e+00  }
0x16: {  	s21 =	simm.s32 $0x150;
	v13 =	vor.u32 s6, v2;
	s8 =	sor.u32 s8, s9;
	s14 =	simm.s32 $0x20;
	v15 =	vld.idx.msk [tilespmem:v3+s6+$0x0], $0xffff;
	v3 =	vnsel vm0, $0x0, v4  }
0x17: {  	s12 =	simm.s32 $0xC0;
	v16 =	vadd.s32 s21, v0;
	s14 =	sand.u32 $0x60, s14;
	v12 =	vld.idx.msk [tilespmem:v12+s6+$0x0], $0xffff;
	vm2 =	vgt.f32 v8, $0.0e+00;
	v5 =	vnsel vm0, $0x0, v5;
	[tilespmem:s8+$0x0] =	vst v3  }
0x18: {  	s28 =	sor.u32 s14, s9;
	v4 =	vld.idx.msk [tilespmem:v10+s6+$0x0], $0xffff;
	v10 =	vor.u32 s12, v1;
	v8 =	vnsel vm2, $0x0, v8;
	[tilespmem:s8+$0x80] =	vst v5  }
0x19: {  	s22 =	simm.s32 $0x0;
	s24 =	simm.s32 $0xF0;
	v14 =	vld.idx.msk [tilespmem:v14+s6+$0x0], $0xffff;
	v3 =	vimm.s32 $0x0;
	v5 =	vnsel vm0, $0x0, v9;
	v9 =	vadd.s32 s21, v1;
	[tilespmem:s28+$0x100] =	vst v8  }
0x1a: {  	s13 =	sand.u32 $0x40, s22;
	v17 =	vadd.s32 s24, v1;
	s7 =	simm.s32 $0x0;
	vm1 =	vgt.f32 v6, $0.0e+00;
	[tilespmem:s8+$0x100] =	vst v5;
	v5 =	vsel vm0, $0x1, v3  }
0x1b: {  	s23 =	simm.s32 $0x10;
	s26 =	simm.s32 $0x120;
	v13 =	vld.idx.msk [tilespmem:v13+s6+$0x0], $0xffff;
	v6 =	vnsel vm1, $0x0, v6;
	s8 =	sor.u32 s13, s9;
	[tilespmem:s7+$0x3830] =	vst v5;
	v5 =	vadd.s32 s21, v2  }
0x1c: {  	v22 =	vadd.s32 s26, v2;
	s11 =	sand.u32 $0x50, s23;
	v16 =	vld.idx.msk [tilespmem:v16+s6+$0x0], $0xffff;
	v12 =	vnsel vm1, $0x0, v12;
	vm0 =	vgt.f32 v7, $0.0e+00;
	[tilespmem:s8+$0x100] =	vst v6  }
0x1d: {  	s25 =	sor.u32 s11, s9;
	[tilespmem:s8+$0x0] =	vst v12;
	v6 =	vnsel vm0, $0x0, v15;
	v15 =	vadd.s32 s26, v1;
	v18 =	vld.idx.msk [tilespmem:v10+s6+$0x0], $0xffff  }
0x1e: {  	[tilespmem:s25+$0x0] =	vst v6;
	v10 =	vadd.s32 s24, v0;
	v6 =	vnsel vm0, $0x0, v7;
	v19 =	vld.idx.msk [tilespmem:v9+s6+$0x0], $0xffff  }
0x1f: {  	v4 =	vnsel vm0, $0x0, v4;
	v9 =	vadd.s32 s24, v2;
	[tilespmem:s25+$0x100] =	vst v6;
	v6 =	vld.idx.msk [tilespmem:v17+s6+$0x0], $0xffff  }
0x20: {  	v20 =	vadd.s32 s26, v0;
	v7 =	vnsel vm2, $0x0, v11;
	[tilespmem:s25+$0x80] =	vst v4;
	v21 =	vld.idx.msk [tilespmem:v5+s6+$0x0], $0xffff  }
0x21: {  	s30 =	simm.s32 $0x50;
	s9 =	simm.s32 $0x100;
	v4 =	vsel vm0, $0x1, v3;
	[tilespmem:s28+$0x0] =	vst v7;
	v17 =	vor.u32 s12, v0;
	v5 =	vnsel vm2, $0x0, v14;
	v14 =	vld.idx.msk [tilespmem:v22+s6+$0x0], $0xffff  }
0x22: {  	s31 =	simm.s32 $0x40;
	s11 =	simm.s32 $0x70;
	v8 =	vor.u32 s12, v2;
	s29 =	sand.u32 $0xE00, s9;
	[tilespmem:s7+$0x3810] =	vst v4;
	v4 =	vld.idx.msk [tilespmem:v15+s6+$0x0], $0xffff  }
0x23: {  	s3 =	sadd.s32 $0x800, s3;
	s15 =	sand.u32 $0x70, s11;
	s13 =	sadd.s32 $0x1800, s29;
	v11 =	vsel vm2, $0x1, v3;
	[tilespmem:s28+$0x80] =	vst v5;
	v7 =	vld.idx.msk [tilespmem:v10+s6+$0x0], $0xffff;
	vm2 =	vgt.f32 v19, $0.0e+00  }
0x24: {  	s10 =	simm.s32 $0x4;
	s16 =	simm.s32 $0x60;
	v12 =	vnsel vm1, $0x0, v13;
	s17 =	sor.u32 s15, s13;
	[tilespmem:s7+$0x3820] =	vst v11;
	vm0 =	vgt.f32 v18, $0.0e+00;
	v10 =	vld.idx.msk [tilespmem:v9+s6+$0x0], $0xffff;
	v9 =	vnsel vm2, $0x0, v16  }
0x25: {  	s14 =	sand.u32 $0x50, s30;
	s16 =	sand.u32 $0x60, s16;
	s12 =	sand.u32 $0x40, s31;
	v5 =	vsel vm1, $0x1, v3;
	v11 =	vld.idx.msk [tilespmem:v20+s6+$0x0], $0xffff;
	v15 =	vnsel vm0, $0x0, v18;
	[tilespmem:s17+$0x0] =	vst v9;
	v16 =	vnsel vm2, $0x0, v21  }
0x26: {  	s14 =	sor.u32 s14, s13;
	s15 =	sor.u32 s12, s13;
	s12 =	simm.s32 $0x180;
	v13 =	vld.idx.msk [tilespmem:v17+s6+$0x0], $0xffff;
	vm1 =	vgt.f32 v6, $0.0e+00;
	v9 =	vsel vm0, $0x1, v3;
	[tilespmem:s17+$0x80] =	vst v16;
	v16 =	vnsel vm2, $0x0, v19  }
.LBB2_1:
0x27: {  	v17 =	vor.u32 s12, v1;
	v18 =	vor.u32 s12, v0;
	s18 =	sadd.s32 $0x30, s12;
	s19 =	sadd.s32 $0x90, s12;
	v19 =	vld.idx.msk [tilespmem:v8+s6+$0x0], $0xffff;
	s20 =	sshra.s32 s9, $0x2;
	[tilespmem:s17+$0x100] =	vst v16;
	v8 =	vsel vm2, $0x1, v3  }
0x28: {  	s17 =	sadd.s32 $0x60, s12;
	s13 =	sor.u32 s16, s13;
	v16 =	vadd.s32 s18, v0;
	v20 =	vadd.s32 s18, v1;
	v21 =	vadd.s32 s19, v1;
	[tilespmem:s20+$0x3830] =	vst v8  }
0x29: {  	v22 =	vadd.s32 s18, v2;
	v23 =	vadd.s32 s17, v1;
	v24 =	vadd.s32 s19, v0;
	[tilespmem:s8+$0x80] =	vst v12;
	s8 =	smov.u32 s15  }
0x2a: {  	s10 =	sadd.s32 $0x4, s10;
	v25 =	vadd.s32 s17, v0;
	v26 =	vadd.s32 s17, v2;
	v27 =	vadd.s32 s19, v2;
	[tilespmem:s8+$0x100] =	vst v15  }
0x2b: {  	v7 =	vnsel vm1, $0x0, v7;
	vm2 =	vgt.f32 v4, $0.0e+00;
	v8 =	vor.u32 s12, v2;
	p0 =	slt.u32 s10, $0x3C;
	[tilespmem:s7+$0x3800] =	vst v5;
	v5 =	vmovc v9;
	s7 =	smov.u32 s20  }
0x2c: {  	v6 =	vnsel vm1, $0x0, v6;
	v9 =	vld.idx.msk [tilespmem:v17+s6+$0x0], $0xffff;
	[tilespmem:s14+$0x0] =	vst v7;
	v7 =	vnsel vm1, $0x0, v10;
	v10 =	vsel vm1, $0x1, v3  }
0x2d: {  	v17 =	vld.idx.msk [tilespmem:v21+s6+$0x0], $0xffff;
	[tilespmem:s14+$0x80] =	vst v7;
	v7 =	vnsel vm2, $0x0, v11;
	v11 =	vnsel vm2, $0x0, v14;
	v14 =	vnsel vm2, $0x0, v4  }
0x2e: {  	v13 =	vnsel vm0, $0x0, v13;
	v12 =	vnsel vm0, $0x0, v19;
	v19 =	vsel vm2, $0x1, v3;
	v21 =	vld.idx.msk [tilespmem:v24+s6+$0x0], $0xffff;
	[tilespmem:s14+$0x100] =	vst v6  }
0x2f: {  	v24 =	vld.idx.msk [tilespmem:v27+s6+$0x0], $0xffff;
	[tilespmem:s7+$0x3810] =	vst v10  }
0x30: {  	v6 =	vld.idx.msk [tilespmem:v20+s6+$0x0], $0xffff;
	[tilespmem:s13+$0x0] =	vst v7  }
0x31: {  	s9 =	sadd.s32 $0x100, s9;
	v4 =	vld.idx.msk [tilespmem:v23+s6+$0x0], $0xffff;
	[tilespmem:s13+$0x80] =	vst v11  }
.Ltmp0:
0x32: {  	s11 =	sadd.s32 $0x40, s11;
	s14 =	sand.u32 $0xE00, s9;
	vm0 =	vgt.f32 v9, $0.0e+00;
	v7 =	vld.idx.msk [tilespmem:v16+s6+$0x0], $0xffff;
	[tilespmem:s13+$0x100] =	vst v14;
	(pc) =	sbr.rel @p0 .LBB2_1-.Ltmp0, $4  }
0x33: {  	s15 =	sand.u32 $0x70, s11;
	s13 =	sadd.s32 $0x1800, s14;
	v15 =	vnsel vm0, $0x0, v9;
	v9 =	vsel vm0, $0x1, v3;
	s14 =	sadd.s32 $0xFFFFFFE0, s11;
	vm2 =	vgt.f32 v17, $0.0e+00;
	v10 =	vld.idx.msk [tilespmem:v22+s6+$0x0], $0xffff;
	[tilespmem:s7+$0x3820] =	vst v19  }
0x34: {  	s16 =	sadd.s32 $0xFFFFFFD0, s11;
	s18 =	sadd.s32 $0xFFFFFFF0, s11;
	v16 =	vnsel vm2, $0x0, v21;
	s17 =	sor.u32 s15, s13;
	v11 =	vld.idx.msk [tilespmem:v25+s6+$0x0], $0xffff;
	[tilespmem:s8+$0x0] =	vst v13  }
0x35: {  	s15 =	sand.u32 $0x40, s16;
	s14 =	sand.u32 $0x50, s14;
	s16 =	sand.u32 $0x60, s18;
	v14 =	vld.idx.msk [tilespmem:v26+s6+$0x0], $0xffff;
	[tilespmem:s17+$0x0] =	vst v16;
	v16 =	vnsel vm2, $0x0, v24  }
0x36: {  	s12 =	sadd.s32 $0xC0, s12;
	s15 =	sor.u32 s15, s13;
	s14 =	sor.u32 s14, s13;
	vm1 =	vgt.f32 v6, $0.0e+00;
	v13 =	vld.idx.msk [tilespmem:v18+s6+$0x0], $0xffff;
	[tilespmem:s17+$0x80] =	vst v16;
	v16 =	vnsel vm2, $0x0, v17  }
0x37: {  	_ = 	snop  }
0x38: {  	[tilespmem:s17+$0x100] =	vst v16  }
0x39: {  	s9 =	sshra.s32 s9, $0x2;
	v0 =	vsel vm2, $0x1, v3;
	[tilespmem:s8+$0x80] =	vst v12  }
0x3a: {  	[tilespmem:s9+$0x3830] =	vst v0  }
0x3b: {  	v0 =	vld.idx.msk [tilespmem:v8+s6+$0x0], $0xffff;
	[tilespmem:s15+$0x100] =	vst v15  }
0x3c: {  	v1 =	vnsel vm1, $0x0, v7;
	[tilespmem:s7+$0x3800] =	vst v5  }
0x3d: {  	v2 =	vnsel vm1, $0x0, v6;
	[tilespmem:s14+$0x0] =	vst v1  }
0x3e: {  	v1 =	vnsel vm1, $0x0, v10;
	[tilespmem:s14+$0x100] =	vst v2  }
0x3f: {  	vm2 =	vgt.f32 v4, $0.0e+00;
	[tilespmem:s14+$0x80] =	vst v1;
	v1 =	vsel vm1, $0x1, v3  }
0x40: {  	s28 =	sor.u32 s16, s13;
	v2 =	vnsel vm2, $0x0, v11;
	[tilespmem:s9+$0x3810] =	vst v1  }
0x41: {  	v1 =	vnsel vm2, $0x0, v14;
	[tilespmem:s28+$0x0] =	vst v2  }
0x42: {  	v2 =	vnsel vm2, $0x0, v4;
	[tilespmem:s28+$0x80] =	vst v1  }
0x43: {  	v1 =	vsel vm2, $0x1, v3;
	[tilespmem:s28+$0x100] =	vst v2  }
0x44: {  	s4 =	sshll.u32 s4, $0xE;
	v2 =	vnsel vm0, $0x0, v13;
	[tilespmem:s9+$0x3820] =	vst v1  }
0x45: {  	s4 =	sor.u32 s5, s4;
	[tilespmem:s15+$0x0] =	vst v2;
	v0 =	vnsel vm0, $0x0, v0  }
0x46: {  	s30 =	simm.s32 $0x80;
	s4 =	sshrl.u32 s4, $0x3;
	[tilespmem:s15+$0x80] =	vst v0  }
0x47: {  	s31 =	simm.s32 $0x8000;
	s10 =	simm.s32 $0x1800;
	s29 =	sadd.s32 s2, s4;
	[tilespmem:s9+$0x3800] =	vst v9  }
0x48: {  	[hbm4b:s29+s30] =	stream.strided.scatter [tilespmem:s10], [sflag:$0x3], $0x180, s31, s30, $0x38;
	[tilespmem:$0x4000] =	vst v63  }
0x49: {  	s12 =	simm.s32 $0x1A00;
	s11 =	sadd.s32 $0x80, s29  }
0x4a: {  	[hbm4b:s11+s30] =	stream.strided.scatter [tilespmem:s12], [sflag:$0x3], $0x180, s31, s30, $0x38;
	[tilespmem:$0x4000] =	vst v63  }
0x4b: {  	s14 =	simm.s32 $0x1C00;
	s13 =	sadd.s32 $0x100, s29  }
0x4c: {  	[hbm4b:s13+s30] =	stream.strided.scatter [tilespmem:s14], [sflag:$0x3], $0x180, s31, s30, $0x38;
	[tilespmem:$0x4000] =	vst v63  }
0x4d: {  	s16 =	simm.s32 $0x1E00;
	s15 =	sadd.s32 $0x180, s29  }
0x4e: {  	[hbm4b:s15+s30] =	stream.strided.scatter [tilespmem:s16], [sflag:$0x3], $0x180, s31, s30, $0x38;
	[tilespmem:$0x4000] =	vst v63  }
0x4f: {  	s18 =	simm.s32 $0x2000;
	s17 =	sadd.s32 $0x200, s29  }
0x50: {  	[hbm4b:s17+s30] =	stream.strided.scatter [tilespmem:s18], [sflag:$0x3], $0x180, s31, s30, $0x38;
	[tilespmem:$0x4000] =	vst v63  }
0x51: {  	s20 =	simm.s32 $0x2200;
	s22 =	simm.s32 $0x2400;
	s19 =	sadd.s32 $0x280, s29;
	v0 =	vlaneseq.u32  }
0x52: {  	v0 =	vmul.u32 $0x3, v0;
	[hbm4b:s19+s30] =	stream.strided.scatter [tilespmem:s20], [sflag:$0x3], $0x180, s31, s30, $0x38;
	[tilespmem:$0x4000] =	vst v63  }
0x53: {  	s23 =	simm.s32 $0x2600;
	s24 =	simm.s32 $0xC90;
	s21 =	sadd.s32 $0x300, s29  }
0x54: {  	v1 =	vadd.s32 $0x2, v0;
	[hbm4b:s21+s30] =	stream.strided.scatter [tilespmem:s22], [sflag:$0x3], $0x180, s31, s30, $0x38;
	[tilespmem:$0x4000] =	vst v63  }
0x55: {  	s25 =	simm.s32 $0xC60;
	s26 =	simm.s32 $0x2;
	s5 =	sadd.s32 $0x380, s29;
	v3 =	vadd.s32 s24, v1  }
0x56: {  	v4 =	vadd.s32 s25, v1;
	[hbm4b:s5+s30] =	stream.strided.scatter [tilespmem:s23], [sflag:$0x3], $0x180, s31, s30, $0x38;
	[tilespmem:$0x4000] =	vst v63  }
0x57: {  	v2 =	vadd.s32 $0x1, v0;
	v5 =	vadd.s32 s25, v0;
	_ =	swait.ge [sflag:s26], $0xC00  }
0x58: {  	s28 =	simm.s32 $0xC00;
	v6 =	vadd.s32 s25, v2;
	[sflag:s26] =	ssyncset.done $0x0  }
0x59: {  	s29 =	simm.s32 $0xC30;
	v7 =	vor.u32 s28, v1;
	s5 =	simm.s32 $0x0;
	[sflag:s26] =	ssyncadd.s32 $0xFFFFF400  }
0x5a: {  	v8 =	vadd.s32 s29, v1;
	v9 =	vld.idx.msk [tilespmem:v3+s5+$0x0], $0xffff  }
0x5b: {  	v10 =	vor.u32 s28, v2;
	v4 =	vld.idx.msk [tilespmem:v4+s5+$0x0], $0xffff  }
0x5c: {  	v11 =	vadd.s32 s29, v0;
	v5 =	vld.idx.msk [tilespmem:v5+s5+$0x0], $0xffff  }
0x5d: {  	v3 =	vor.u32 s28, v0;
	v6 =	vld.idx.msk [tilespmem:v6+s5+$0x0], $0xffff  }
0x5e: {  	s10 =	simm.s32 $0x1080;
	v12 =	vadd.s32 s29, v2;
	v7 =	vld.idx.msk [tilespmem:v7+s5+$0x0], $0xffff  }
0x5f: {  	v13 =	vadd.s32 s24, v0;
	s10 =	sand.u32 $0x1E00, s10;
	s11 =	simm.s32 $0xD50;
	v8 =	vld.idx.msk [tilespmem:v8+s5+$0x0], $0xffff  }
0x60: {  	v14 =	vadd.s32 s24, v2;
	s12 =	simm.s32 $0xD20;
	s24 =	simm.s32 $0x1040;
	s14 =	simm.s32 $0x20;
	v10 =	vld.idx.msk [tilespmem:v10+s5+$0x0], $0xffff  }
0x61: {  	s25 =	simm.s32 $0x30;
	v17 =	vadd.s32 s12, v0;
	s13 =	simm.s32 $0x0;
	s8 =	sand.u32 $0x60, s14;
	v11 =	vld.idx.msk [tilespmem:v11+s5+$0x0], $0xffff;
	vm1 =	vgt.f32 v4, $0.0e+00  }
0x62: {  	s29 =	simm.s32 $0x1180;
	v16 =	vadd.s32 s11, v1;
	s9 =	sand.u32 $0x40, s13;
	s10 =	sor.u32 s8, s10;
	v15 =	vld.idx.msk [tilespmem:v3+s5+$0x0], $0xffff;
	v3 =	vnsel vm1, $0x0, v5  }
0x63: {  	s14 =	sand.u32 $0x70, s25;
	s16 =	simm.s32 $0x1000;
	s19 =	simm.s32 $0xCC0;
	v12 =	vld.idx.msk [tilespmem:v12+s5+$0x0], $0xffff;
	v5 =	vadd.s32 s12, v1;
	v6 =	vnsel vm1, $0x0, v6;
	[tilespmem:s10+$0x1800] =	vst v3  }
0x64: {  	s15 =	simm.s32 $0x400;
	s22 =	simm.s32 $0x420;
	s23 =	sand.u32 $0x1E00, s16;
	v18 =	vld.idx.msk [tilespmem:v13+s5+$0x0], $0xffff;
	v13 =	vor.u32 s19, v1;
	vm0 =	vgt.f32 v7, $0.0e+00;
	v4 =	vnsel vm1, $0x0, v4;
	[tilespmem:s10+$0x1880] =	vst v6  }
0x65: {  	s13 =	sand.u32 $0x780, s15;
	s17 =	sand.u32 $0x780, s22;
	v14 =	vld.idx.msk [tilespmem:v14+s5+$0x0], $0xffff;
	v10 =	vnsel vm0, $0x0, v10;
	v3 =	vimm.s32 $0x0;
	v6 =	vadd.s32 s12, v2;
	[tilespmem:s10+$0x1900] =	vst v4;
	s10 =	sor.u32 s9, s23  }
0x66: {  	s18 =	simm.s32 $0xCF0;
	s20 =	simm.s32 $0x10;
	v21 =	vor.u32 s19, v2;
	s8 =	sor.u32 s8, s17;
	v17 =	vld.idx.msk [tilespmem:v17+s5+$0x0], $0xffff;
	v4 =	vsel vm1, $0x1, v3;
	[tilespmem:s10+$0x1880] =	vst v10  }
0x67: {  	v19 =	vadd.s32 s18, v1;
	s15 =	sand.u32 $0x50, s20;
	s21 =	simm.s32 $0x410;
	s30 =	simm.s32 $0x430;
	[tilespmem:s8+$0x3800] =	vst v4;
	v4 =	vnsel vm0, $0x0, v15;
	v15 =	vld.idx.msk [tilespmem:v16+s5+$0x0], $0xffff  }
0x68: {  	s31 =	simm.s32 $0x10C0;
	s16 =	sand.u32 $0x780, s21;
	s17 =	simm.s32 $0x1100;
	v10 =	vadd.s32 s18, v0;
	v20 =	vld.idx.msk [tilespmem:v5+s5+$0x0], $0xffff;
	[tilespmem:s10+$0x1800] =	vst v4;
	v4 =	vnsel vm0, $0x0, v7  }
0x69: {  	s7 =	sand.u32 $0x1E00, s31;
	s12 =	sand.u32 $0x1E00, s24;
	s9 =	sor.u32 s9, s13;
	vm1 =	vgt.f32 v8, $0.0e+00;
	v16 =	vor.u32 s19, v0;
	v5 =	vsel vm0, $0x1, v3;
	v7 =	vld.idx.msk [tilespmem:v13+s5+$0x0], $0xffff;
	[tilespmem:s10+$0x1900] =	vst v4  }
0x6a: {  	v23 =	vadd.s32 s18, v2;
	s6 =	sand.u32 $0x780, s30;
	s31 =	simm.s32 $0x460;
	s26 =	sor.u32 s15, s12;
	v22 =	vld.idx.msk [tilespmem:v6+s5+$0x0], $0xffff;
	v6 =	vnsel vm1, $0x0, v11;
	[tilespmem:s9+$0x3800] =	vst v5  }
0x6b: {  	v24 =	vadd.s32 s11, v0;
	s16 =	sor.u32 s15, s16;
	s30 =	sand.u32 $0x1E00, s29;
	s21 =	sand.u32 $0x780, s31;
	vm3 =	vgt.f32 v9, $0.0e+00;
	v13 =	vld.idx.msk [tilespmem:v21+s5+$0x0], $0xffff;
	v11 =	vnsel vm1, $0x0, v12;
	[tilespmem:s26+$0x1800] =	vst v6  }
0x6c: {  	s28 =	simm.s32 $0x60;
	s13 =	simm.s32 $0x40;
	s12 =	simm.s32 $0x440;
	v4 =	vld.idx.msk [tilespmem:v19+s5+$0x0], $0xffff;
	v6 =	vnsel vm3, $0x0, v9;
	v9 =	vnsel vm1, $0x0, v8;
	[tilespmem:s26+$0x1880] =	vst v11;
	v8 =	vadd.s32 s11, v2  }
0x6d: {  	s15 =	simm.s32 $0x50;
	s18 =	simm.s32 $0x1140;
	s19 =	sand.u32 $0x60, s28;
	v19 =	vsel vm1, $0x1, v3;
	v5 =	vsel vm3, $0x1, v3;
	v11 =	vld.idx.msk [tilespmem:v10+s5+$0x0], $0xffff;
	[tilespmem:s26+$0x1900] =	vst v9;
	vm2 =	vgt.f32 v20, $0.0e+00  }
0x6e: {  	s8 =	simm.s32 $0x4;
	s20 =	sor.u32 s19, s30;
	s10 =	sor.u32 s14, s7;
	v12 =	vld.idx.msk [tilespmem:v16+s5+$0x0], $0xffff;
	v16 =	vnsel vm3, $0x0, v18;
	vm0 =	vgt.f32 v15, $0.0e+00;
	[tilespmem:s16+$0x3800] =	vst v19;
	v9 =	vnsel vm2, $0x0, v17  }
0x6f: {  	s7 =	simm.s32 $0x11C0;
	s9 =	sor.u32 s14, s6;
	s6 =	simm.s32 $0x470;
	v10 =	vnsel vm0, $0x0, v15;
	v17 =	vnsel vm3, $0x0, v14;
	v14 =	vld.idx.msk [tilespmem:v23+s5+$0x0], $0xffff;
	v15 =	vnsel vm2, $0x0, v22;
	[tilespmem:s20+$0x1800] =	vst v9  }
0x70: {  	s14 =	simm.s32 $0x450;
	s11 =	simm.s32 $0xE10;
	s16 =	simm.s32 $0x70;
	vm1 =	vgt.f32 v7, $0.0e+00;
	v18 =	vnsel vm2, $0x0, v20;
	v9 =	vsel vm0, $0x1, v3;
	[tilespmem:s20+$0x1880] =	vst v15;
	v15 =	vld.idx.msk [tilespmem:v24+s5+$0x0], $0xffff  }
.LBB2_3:
0x71: {  	s22 =	sadd.s32 $0xFFFFFFA0, s11;
	s23 =	sadd.s32 $0xFFFFFFD0, s11;
	v19 =	vadd.s32 s11, v0;
	v20 =	vadd.s32 s11, v1;
	[tilespmem:s20+$0x1900] =	vst v18;
	v18 =	vsel vm2, $0x1, v3;
	s19 =	sor.u32 s19, s21;
	v21 =	vld.idx.msk [tilespmem:v8+s5+$0x0], $0xffff  }
0x72: {  	s20 =	sadd.s32 $0xFFFFFF70, s11;
	s13 =	sand.u32 $0x40, s13;
	s17 =	sand.u32 $0x1E00, s17;
	v22 =	vadd.s32 s22, v0;
	v23 =	vadd.s32 s22, v1;
	v24 =	vadd.s32 s23, v1;
	[tilespmem:s19+$0x3800] =	vst v18  }
0x73: {  	s12 =	sand.u32 $0x780, s12;
	s15 =	sand.u32 $0x50, s15;
	s18 =	sand.u32 $0x1E00, s18;
	v18 =	vor.u32 s20, v1;
	v25 =	vor.u32 s20, v0;
	v26 =	vadd.s32 s23, v0;
	[tilespmem:s10+$0x1800] =	vst v16  }
0x74: {  	s8 =	sadd.s32 $0x4, s8;
	s14 =	sand.u32 $0x780, s14;
	s16 =	sand.u32 $0x70, s16;
	v27 =	vor.u32 s20, v2;
	v28 =	vadd.s32 s22, v2;
	v29 =	vadd.s32 s23, v2;
	[tilespmem:s10+$0x1880] =	vst v17  }
0x75: {  	v8 =	vadd.s32 s11, v2;
	v12 =	vnsel vm1, $0x0, v12;
	vm2 =	vgt.f32 v4, $0.0e+00;
	p0 =	slt.u32 s8, $0x3C;
	s19 =	sand.u32 $0x1E00, s7;
	s20 =	sand.u32 $0x780, s6;
	[tilespmem:s10+$0x1900] =	vst v6;
	v6 =	vmovc v10  }
0x76: {  	v7 =	vnsel vm1, $0x0, v7;
	s17 =	sor.u32 s13, s17;
	v13 =	vnsel vm1, $0x0, v13;
	s12 =	sor.u32 s13, s12;
	s18 =	sor.u32 s15, s18;
	v10 =	vld.idx.msk [tilespmem:v20+s5+$0x0], $0xffff;
	v20 =	vsel vm1, $0x1, v3;
	[tilespmem:s9+$0x3800] =	vst v5;
	v5 =	vmovc v9  }
0x77: {  	s14 =	sor.u32 s15, s14;
	s10 =	sor.u32 s16, s19;
	v9 =	vnsel vm2, $0x0, v11;
	v11 =	vnsel vm2, $0x0, v14;
	v14 =	vnsel vm2, $0x0, v4;
	s9 =	sor.u32 s16, s20;
	v24 =	vld.idx.msk [tilespmem:v24+s5+$0x0], $0xffff;
	[tilespmem:s17+$0x1800] =	vst v12  }
0x78: {  	v30 =	vsel vm2, $0x1, v3;
	v16 =	vnsel vm0, $0x0, v15;
	v17 =	vnsel vm0, $0x0, v21;
	v26 =	vld.idx.msk [tilespmem:v26+s5+$0x0], $0xffff;
	[tilespmem:s17+$0x1880] =	vst v13  }
0x79: {  	v15 =	vld.idx.msk [tilespmem:v29+s5+$0x0], $0xffff;
	[tilespmem:s17+$0x1900] =	vst v7  }
0x7a: {  	s6 =	sadd.s32 $0x40, s6;
	v7 =	vld.idx.msk [tilespmem:v18+s5+$0x0], $0xffff;
	[tilespmem:s12+$0x3800] =	vst v20  }
0x7b: {  	s7 =	sadd.s32 $0x100, s7;
	s13 =	sadd.s32 $0xFFFFFBD0, s6;
	v4 =	vld.idx.msk [tilespmem:v23+s5+$0x0], $0xffff;
	[tilespmem:s18+$0x1800] =	vst v9  }
.Ltmp1:
0x7c: {  	s15 =	sadd.s32 $0xFFFFFBF0, s6;
	s16 =	sadd.s32 $0xFFFFFFC0, s7;
	vm0 =	vgt.f32 v10, $0.0e+00;
	v12 =	vld.idx.msk [tilespmem:v25+s5+$0x0], $0xffff;
	[tilespmem:s18+$0x1880] =	vst v11;
	(pc) =	sbr.rel @p0 .LBB2_3-.Ltmp1, $4  }
0x7d: {  	s19 =	sand.u32 $0x60, s15;
	s16 =	sand.u32 $0x1E00, s16;
	s12 =	sadd.s32 $0xFFFFFFD0, s6;
	vm2 =	vgt.f32 v24, $0.0e+00;
	v10 =	vnsel vm0, $0x0, v10;
	v9 =	vsel vm0, $0x1, v3;
	v13 =	vld.idx.msk [tilespmem:v27+s5+$0x0], $0xffff;
	[tilespmem:s18+$0x1900] =	vst v14  }
0x7e: {  	s15 =	sadd.s32 $0xFFFFFBE0, s6;
	s20 =	sor.u32 s19, s16;
	s17 =	sadd.s32 $0xFFFFFF40, s7;
	v18 =	vnsel vm2, $0x0, v26;
	v11 =	vld.idx.msk [tilespmem:v22+s5+$0x0], $0xffff;
	[tilespmem:s14+$0x3800] =	vst v30  }
0x7f: {  	s16 =	sadd.s32 $0xFFFFFFF0, s6;
	s18 =	sadd.s32 $0xFFFFFF80, s7;
	s14 =	sadd.s32 $0xFFFFFFE0, s6;
	v15 =	vnsel vm2, $0x0, v15;
	v14 =	vld.idx.msk [tilespmem:v28+s5+$0x0], $0xffff;
	[tilespmem:s20+$0x1800] =	vst v18  }
0x80: {  	s11 =	sadd.s32 $0xC0, s11;
	s21 =	sand.u32 $0x780, s16;
	s16 =	sadd.s32 $0xFFFFFC00, s6;
	vm1 =	vgt.f32 v7, $0.0e+00;
	v18 =	vnsel vm2, $0x0, v24;
	[tilespmem:s20+$0x1880] =	vst v15;
	v15 =	vld.idx.msk [tilespmem:v19+s5+$0x0], $0xffff  }
0x81: {  	[tilespmem:s20+$0x1900] =	vst v18  }
0x82: {  	[tilespmem:s10+$0x1800] =	vst v16  }
0x83: {  	[tilespmem:s10+$0x1880] =	vst v17  }
0x84: {  	v0 =	vsel vm2, $0x1, v3;
	s8 =	sor.u32 s19, s21;
	[tilespmem:s10+$0x1900] =	vst v6  }
0x85: {  	s23 =	sand.u32 $0x40, s13;
	s11 =	sand.u32 $0x1E00, s17;
	[tilespmem:s8+$0x3800] =	vst v0  }
0x86: {  	v56 =	vnsel vm1, $0x0, v12;
	s24 =	sor.u32 s23, s11;
	[tilespmem:s9+$0x3800] =	vst v5  }
0x87: {  	v1 =	vnsel vm1, $0x0, v13;
	[tilespmem:s24+$0x1800] =	vst v56  }
0x88: {  	v57 =	vnsel vm1, $0x0, v7;
	s26 =	sand.u32 $0x50, s15;
	s28 =	sand.u32 $0x1E00, s18;
	vm15 =	vgt.f32 v4, $0.0e+00;
	[tilespmem:s24+$0x1880] =	vst v1  }
0x89: {  	s31 =	sand.u32 $0x70, s16;
	s7 =	sand.u32 $0x1E00, s7;
	s29 =	sor.u32 s26, s28;
	v61 =	vnsel vm15, $0x0, v4;
	[tilespmem:s24+$0x1900] =	vst v57  }
0x8a: {  	s25 =	sand.u32 $0x780, s12;
	s7 =	sor.u32 s31, s7;
	[tilespmem:s29+$0x1900] =	vst v61  }
0x8b: {  	v58 =	vsel vm1, $0x1, v3;
	v59 =	vld.idx.msk [tilespmem:v8+s5+$0x0], $0xffff;
	s8 =	sor.u32 s23, s25;
	[tilespmem:s7+$0x1900] =	vst v10  }
0x8c: {  	v2 =	vnsel vm15, $0x0, v11;
	[tilespmem:s8+$0x3800] =	vst v58  }
0x8d: {  	s30 =	sand.u32 $0x780, s14;
	v60 =	vnsel vm15, $0x0, v14;
	[tilespmem:s29+$0x1800] =	vst v2  }
0x8e: {  	v62 =	vsel vm15, $0x1, v3;
	s8 =	sor.u32 s26, s30;
	[tilespmem:s29+$0x1880] =	vst v60  }
0x8f: {  	v63 =	vnsel vm0, $0x0, v15;
	[tilespmem:s8+$0x3800] =	vst v62  }
0x90: {  	s6 =	sand.u32 $0x780, s6;
	v0 =	vnsel vm0, $0x0, v59;
	[tilespmem:s7+$0x1800] =	vst v63  }
0x91: {  	s2 =	sadd.s32 s4, s2;
	s10 =	simm.s32 $0x80;
	s6 =	sor.u32 s31, s6;
	[tilespmem:s7+$0x1880] =	vst v0  }
0x92: {  	s12 =	simm.s32 $0x2800;
	s9 =	sadd.s32 $0x400, s2;
	s11 =	simm.s32 $0x8000;
	[tilespmem:s6+$0x3800] =	vst v9  }
0x93: {  	[hbm4b:s9+s10] =	stream.strided.scatter [tilespmem:s12], [sflag:$0x3], $0x180, s11, s10, $0x38;
	[tilespmem:$0x4000] =	vst v63  }
0x94: {  	s14 =	simm.s32 $0x2A00;
	s13 =	sadd.s32 $0x480, s2  }
0x95: {  	[hbm4b:s13+s10] =	stream.strided.scatter [tilespmem:s14], [sflag:$0x3], $0x180, s11, s10, $0x38;
	[tilespmem:$0x4000] =	vst v63  }
0x96: {  	s16 =	simm.s32 $0x2C00;
	s15 =	sadd.s32 $0x500, s2  }
0x97: {  	[hbm4b:s15+s10] =	stream.strided.scatter [tilespmem:s16], [sflag:$0x3], $0x180, s11, s10, $0x38;
	[tilespmem:$0x4000] =	vst v63  }
0x98: {  	s18 =	simm.s32 $0x2E00;
	s17 =	sadd.s32 $0x580, s2  }
0x99: {  	[hbm4b:s17+s10] =	stream.strided.scatter [tilespmem:s18], [sflag:$0x3], $0x180, s11, s10, $0x38;
	[tilespmem:$0x4000] =	vst v63  }
0x9a: {  	s20 =	simm.s32 $0x3000;
	s19 =	sadd.s32 $0x600, s2  }
0x9b: {  	[hbm4b:s19+s10] =	stream.strided.scatter [tilespmem:s20], [sflag:$0x3], $0x180, s11, s10, $0x38;
	[tilespmem:$0x4000] =	vst v63  }
0x9c: {  	s22 =	simm.s32 $0x3200;
	s21 =	sadd.s32 $0x680, s2  }
0x9d: {  	[hbm4b:s21+s10] =	stream.strided.scatter [tilespmem:s22], [sflag:$0x3], $0x180, s11, s10, $0x38;
	[tilespmem:$0x4000] =	vst v63  }
0x9e: {  	s23 =	sadd.s32 $0x700, s2;
	s24 =	simm.s32 $0x3400  }
0x9f: {  	[hbm4b:s23+s10] =	stream.strided.scatter [tilespmem:s24], [sflag:$0x3], $0x180, s11, s10, $0x38;
	[tilespmem:$0x4000] =	vst v63  }
0xa0: {  	s2 =	sadd.s32 $0x780, s2;
	s25 =	simm.s32 $0x3600;
	s28 =	simm.s32 $0x400  }
0xa1: {  	[hbm4b:s2+s10] =	stream.strided.scatter [tilespmem:s25], [sflag:$0x3], $0x180, s11, s10, $0x38;
	[tilespmem:$0x4000] =	vst v63  }
0xa2: {  	s26 =	sadd.s32 s3, s4;
	s30 =	simm.s32 $0x4;
	s29 =	simm.s32 $0x3800  }
0xa3: {  	[hbm4b:s26+s10] =	stream.strided.scatter [tilespmem:s29], [sflag:$0x4], $0x800, s28, s10, $0x38;
	[tilespmem:$0x4000] =	vst v63  }
0xa4: {  	_ =	swait.ge [sflag:s30], $0x800  }
0xa5: {  	[sflag:s30] =	ssyncset.done $0x0  }
0xa6: {  	s31 =	simm.s32 $0x3;
	[sflag:s30] =	ssyncadd.s32 $0xFFFFF800  }
0xa7: {  	_ =	swait.ge [sflag:s31], $0xC00  }
0xa8: {  	[sflag:s31] =	ssyncset.done $0x0  }
0xa9: {  	[sflag:s31] =	ssyncadd.s32 $0xFFFFF400  }
0xaa: {  	_ =	swait.ge [sflag:s31], $0xC00  }
0xab: {  	[sflag:s31] =	ssyncset.done $0x0  }
0xac: {  	[sflag:s31] =	ssyncadd.s32 $0xFFFFF400  }
0xad: {  	_ =	sfence.sel $0x180000  }
0xae: {  	[bflag:$0x0] =	sbarrier.arrive $0xFFFF  }
0xaf: {  	p0 =	sne.s32 s0, $0x0;
	_ =	strace $0x90000047  }
0xb0: {  	s0 =	sadd.s32 @!p0 $0x100000, s1;
	[bflag:$0x2] =	sbarrier.arrive $0xFFFF  }
0xb1: {  	[sflag:s0] =	ssyncadd.tile.s32 @!p0 $0x1;
	_ =	shalt  }
.Lfunc_end2:
_tile_overlayer_lowered:
.L_overlay_start_2:
0xb2: {  	(tag) =	ssettag $0x2  }
0xb3: {  	s0 =	rddreg [dreg:$0x0];
	s2 =	stileid.u32  }
0xb4: {  	s1 =	rddreg [dreg:$0x1];
	p0 =	sne.s32 s2, $0x0  }
0xb5: {  	s3 =	rddreg [dreg:$0x2];
	[bflag:$0x3] =	sbarrier.arrive $0xFFFF;
	s2 =	simm.s32 @!p0 $0x1C04  }
0xb6: {  	[timem:s3], [sflag:s2] =	dma.local @!p0 [hbm:s0], s1  }
0xb7: {  	s0 =	simm.s32 @!p0 $0x4  }
0xb8: {  	_ =	swait.ge @!p0 [sflag:s0], s1  }
0xb9: {  	s1 =	ssub.s32 @!p0 $0x0, s1;
	[sflag:s0] =	ssyncset.done @!p0 $0x0  }
0xba: {  	[sflag:s0] =	ssyncadd.s32 @!p0 s1  }
0xbb: {  	[bflag:$0x3] =	sbarrier.arrive $0xFFFF  }
0xbc: {  	_ =	shalt  }

</sc_bundles>
